<compile_context>
chip_gen: v7x
topology: tpu7x:2x2x1
jax: 0.10.2.dev20260603
libtpu: 0.0.44.dev20260713+nightly
codegen_flags: <defaults>
</compile_context>

<pallas_src>
import functools
import math

import jax
import jax.numpy as jnp
from jax import lax
from jax.experimental import pallas as pl
from jax.experimental.pallas import tpu as pltpu
from jax.experimental.pallas import tpu_sc as plsc

D = 48
C = 64
NX = 40
NZ = 99
X0 = -10.0
Z0 = 0.5
RES = 0.5

HF = 32
WF = 88
W90 = 90
N90 = HF * W90
NP = 3072
GW = 42
G42 = NZ * GW
GP = 4224
PIX_PER_TILE = NP // 16
IDXROWS_PER_TILE = PIX_PER_TILE * D // 128
PX_CHUNK = 8
CHUNKS = PIX_PER_TILE // PX_CHUNK
IDXROWS_PER_CHUNK = PX_CHUNK * D // 128
ROWS_PER_TILE_OUT = GP // 16


def _front_kernel(feat_ref, rx_ref, rz_ref, cval_ref, wr_ref, rb_ref, rgs_ref,
                  rbeta_ref, w1_ref, db1_ref, dgs_ref, dbeta_ref, w2_ref,
                  b2_ref, dc_ref, fused_out, idx_out):
    f = feat_ref[0]
    ctx = jnp.dot(f, wr_ref[...], preferred_element_type=jnp.float32)
    ctx = jax.nn.relu((ctx + rb_ref[...]) * rgs_ref[...] + rbeta_ref[...])
    ctx = ctx * cval_ref[...]

    zpad = jnp.zeros((96, C), jnp.float32)
    P = jnp.concatenate([zpad, ctx, zpad], axis=0)
    acc = jnp.zeros((N90, C), jnp.float32)
    for ky in range(3):
        for kx in range(3):
            off = 96 + (ky - 1) * W90 + (kx - 1)
            acc = acc + jnp.dot(P[off:off + N90, :], w1_ref[ky, kx],
                                preferred_element_type=jnp.float32)
    h = jax.nn.relu((acc + db1_ref[...]) * dgs_ref[...] + dbeta_ref[...])

    logits = jnp.dot(h, w2_ref[...], preferred_element_type=jnp.float32)
    logits = logits + b2_ref[...]
    m = jnp.max(logits, axis=1, keepdims=True)
    e = jnp.exp(logits - m)
    pr = e / jnp.sum(e, axis=1, keepdims=True)

    x3 = rx_ref[0] * dc_ref[...]
    z3 = rz_ref[0] * dc_ref[...]
    bx = ((x3 - X0) / RES).astype(jnp.int32)
    bz = ((z3 - Z0) / RES).astype(jnp.int32)
    valid = (bx >= 0) & (bx < NX) & (bz >= 0) & (bz < NZ)
    idx42 = jnp.where(valid, bz * GW + bx + 1, 0)
    pm = pr * valid.astype(jnp.float32) * cval_ref[...]

    fused = jnp.concatenate([ctx, pm, jnp.zeros((N90, 16), jnp.float32)],
                            axis=1)
    fused_out[0, :N90, :] = fused
    fused_out[0, N90:, :] = jnp.zeros((NP - N90, 128), jnp.float32)
    idx_out[0, :N90, :] = idx42
    idx_out[0, N90:, :] = jnp.zeros((NP - N90, D), jnp.int32)


def _bev_conv_kernel(bev_ref, m42_ref, w1_ref, b1_ref, g1s_ref, beta1_ref,
                     w2_ref, b2_ref, g2s_ref, beta2_ref, out_ref):
    x = bev_ref[0][:G42, :]
    zpad = jnp.zeros((48, C), jnp.float32)
    P1 = jnp.concatenate([zpad, x, zpad], axis=0)
    acc1 = jnp.zeros((G42, C), jnp.float32)
    for ky in range(3):
        for kx in range(3):
            off = 48 + (ky - 1) * GW + (kx - 1)
            acc1 = acc1 + jnp.dot(P1[off:off + G42, :], w1_ref[ky, kx],
                                  preferred_element_type=jnp.float32)
    y1 = jax.nn.relu((acc1 + b1_ref[...]) * g1s_ref[...] + beta1_ref[...])
    y1 = y1 * m42_ref[...]

    P2 = jnp.concatenate([zpad, y1, zpad], axis=0)
    acc2 = jnp.zeros((G42, C), jnp.float32)
    for ky in range(3):
        for kx in range(3):
            off = 48 + (ky - 1) * GW + (kx - 1)
            acc2 = acc2 + jnp.dot(P2[off:off + G42, :], w2_ref[ky, kx],
                                  preferred_element_type=jnp.float32)
    y2 = jax.nn.relu((acc2 + b2_ref[...]) * g2s_ref[...] + beta2_ref[...])
    out_ref[0] = y2


def _sc_scatter_body(fused_hbm, idx_hbm, out_hbm, st_v, idx_v, w_v, irow_v,
                     bev0, bev1):
    c = lax.axis_index("c")
    s = lax.axis_index("s")

    def zrow(r, carry):
        for j in range(C // 16):
            w_v[r, pl.ds(16 * j, 16)] = jnp.zeros((16,), jnp.float32)
        return carry

    lax.fori_loop(0, ROWS_PER_TILE_OUT, zrow, 0)
    zsrc = w_v.at[pl.ds(0, ROWS_PER_TILE_OUT)]
    pltpu.sync_copy(zsrc, bev0.at[pl.ds(s * ROWS_PER_TILE_OUT, ROWS_PER_TILE_OUT)])
    pltpu.sync_copy(zsrc, bev1.at[pl.ds(s * ROWS_PER_TILE_OUT, ROWS_PER_TILE_OUT)])
    plsc.subcore_barrier()

    for b in range(2):
        bev = (bev0, bev1)[b]
        batch = c * 2 + b
        base = (batch * NP + s * PIX_PER_TILE) * 128
        pltpu.sync_copy(fused_hbm.at[pl.ds(base, PIX_PER_TILE * 128)], st_v)
        base_i = (batch * NP + s * PIX_PER_TILE) * D
        pltpu.sync_copy(idx_hbm.at[pl.ds(base_i, PIX_PER_TILE * D)], idx_v)

        def chunk(k, carry):
            def pix(i, carry2):
                p = k * PX_CHUNK + i
                c0 = st_v[pl.ds(p * 128, 16)]
                c1 = st_v[pl.ds(p * 128 + 16, 16)]
                c2 = st_v[pl.ds(p * 128 + 32, 16)]
                c3 = st_v[pl.ds(p * 128 + 48, 16)]
                for blk in range(D // 16):
                    pv = st_v[pl.ds(p * 128 + C + blk * 16, 16)]
                    for j in range(16):
                        prw = lax.gather(
                            pv, jnp.full((16, 1), j, jnp.int32),
                            dimension_numbers=lax.GatherDimensionNumbers(
                                offset_dims=(), collapsed_slice_dims=(0,),
                                start_index_map=(0,)),
                            slice_sizes=(1,),
                            mode=lax.GatherScatterMode.PROMISE_IN_BOUNDS)
                        r = i * D + blk * 16 + j
                        w_v[r, pl.ds(0, 16)] = prw * c0
                        w_v[r, pl.ds(16, 16)] = prw * c1
                        w_v[r, pl.ds(32, 16)] = prw * c2
                        w_v[r, pl.ds(48, 16)] = prw * c3
                return carry2

            lax.fori_loop(0, PX_CHUNK, pix, 0)
            for j in range(IDXROWS_PER_CHUNK):
                r = k * IDXROWS_PER_CHUNK + j
                for t in range(8):
                    irow_v[pl.ds(t * 16, 16)] = idx_v[pl.ds(r * 128 + t * 16, 16)]
                pltpu.sync_copy(
                    w_v.at[pl.ds(j * 128, 128)],
                    bev.at[irow_v],
                    add=True,
                )
            return carry

        lax.fori_loop(0, 0, chunk, 0)

    plsc.subcore_barrier()
    for b in range(2):
        bev = (bev0, bev1)[b]
        pltpu.sync_copy(
            bev.at[pl.ds(s * ROWS_PER_TILE_OUT, ROWS_PER_TILE_OUT)],
            out_hbm.at[pl.ds((c * 2 + b) * GP + s * ROWS_PER_TILE_OUT,
                             ROWS_PER_TILE_OUT)],
        )


def _sc_scatter(fused, idx_r, b):
    mesh = plsc.VectorSubcoreMesh(core_axis_name="c", subcore_axis_name="s")
    return pl.kernel(
        _sc_scatter_body,
        out_type=jax.ShapeDtypeStruct((b * GP, C), jnp.float32),
        mesh=mesh,
        scratch_types=[
            pltpu.VMEM((PIX_PER_TILE * 128,), jnp.float32),
            pltpu.VMEM((PIX_PER_TILE * D,), jnp.int32),
            pltpu.VMEM((PX_CHUNK * D, C), jnp.float32),
            pltpu.VMEM((128,), jnp.int32),
            pltpu.VMEM_SHARED((GP, C), jnp.float32),
            pltpu.VMEM_SHARED((GP, C), jnp.float32),
        ],
    )(fused.reshape(b * NP * 128), idx_r.reshape(b * NP * D)
      ).reshape(b, GP, C)


def kernel(encoder_features, K, img_shape, reduce_w, reduce_b, reduce_g,
           reduce_beta, dp_w1, dp_b1, dp_g, dp_beta, dp_w2, dp_b2, be_w1,
           be_b1, be_g1, be_beta1, be_w2, be_b2, be_g2, be_beta2,
           depth_centers):
    B, Cin, Hf, Wf = encoder_features.shape
    f32 = jnp.float32

    H = img_shape[0]
    W = img_shape[1]
    sx = Wf / W
    sy = Hf / H
    row_scale = jnp.stack([sx * jnp.ones(3, f32), sy * jnp.ones(3, f32),
                           jnp.ones(3, f32)], axis=0)
    K_s = K * row_scale[None]
    K_inv = jnp.linalg.inv(K_s)
    v, u = jnp.meshgrid(jnp.arange(Hf, dtype=f32), jnp.arange(W90, dtype=f32),
                        indexing='ij')
    pix = jnp.stack([u, v, jnp.ones_like(u)], axis=0).reshape(3, -1)
    rays = jnp.einsum('bij,jn->bin', K_inv, pix)
    rx = rays[:, 0, :].reshape(B, N90, 1)
    rz = rays[:, 2, :].reshape(B, N90, 1)

    feat90 = jnp.pad(
        jnp.transpose(encoder_features, (0, 2, 3, 1)),
        ((0, 0), (0, 0), (0, W90 - Wf), (0, 0))).reshape(B, N90, Cin)

    bnscale = 1.0 / jnp.sqrt(1.0 + 1e-5)
    cval = ((jnp.arange(N90) % W90) < Wf).astype(f32).reshape(N90, 1)
    col42 = jnp.arange(G42) % GW
    m42 = ((col42 >= 1) & (col42 <= NX)).astype(f32).reshape(G42, 1)

    wr_t = reduce_w.reshape(C, Cin).T
    w1a = jnp.transpose(dp_w1, (2, 3, 1, 0))
    w2a = dp_w2.reshape(D, C).T
    w1b = jnp.transpose(be_w1, (2, 3, 1, 0))
    w2b = jnp.transpose(be_w2, (2, 3, 1, 0))

    rb = reduce_b.reshape(1, C)
    rgs = (reduce_g * bnscale).reshape(1, C)
    rbeta = reduce_beta.reshape(1, C)
    db1 = dp_b1.reshape(1, C)
    dgs = (dp_g * bnscale).reshape(1, C)
    dbeta = dp_beta.reshape(1, C)
    b2 = dp_b2.reshape(1, D)
    dc = depth_centers.astype(f32).reshape(1, D)
    b1b = be_b1.reshape(1, C)
    g1s = (be_g1 * bnscale).reshape(1, C)
    beta1 = be_beta1.reshape(1, C)
    b2b = be_b2.reshape(1, C)
    g2s = (be_g2 * bnscale).reshape(1, C)
    beta2 = be_beta2.reshape(1, C)

    full = lambda shp: pl.BlockSpec(shp, lambda b_: tuple(0 for _ in shp))
    batched = lambda shp: pl.BlockSpec((1,) + shp, lambda b_: (b_,) + tuple(0 for _ in shp))
    fused_t, idx_t = pl.pallas_call(
        _front_kernel,
        grid=(B,),
        in_specs=[
            batched((N90, Cin)), batched((N90, 1)), batched((N90, 1)),
            full((N90, 1)), full((Cin, C)), full((1, C)), full((1, C)),
            full((1, C)), full((3, 3, C, C)), full((1, C)), full((1, C)),
            full((1, C)), full((C, D)), full((1, D)), full((1, D)),
        ],
        out_specs=[batched((NP, 128)), batched((NP, D))],
        out_shape=[
            jax.ShapeDtypeStruct((B, NP, 128), f32),
            jax.ShapeDtypeStruct((B, NP, D), jnp.int32),
        ],
    )(feat90, rx, rz, cval, wr_t, rb, rgs, rbeta, w1a, db1, dgs, dbeta,
      w2a, b2, dc)

    ctx_b = fused_t[:, :, :C]
    pm_b = fused_t[:, :, C:C + D]
    wflat = (ctx_b[:, :, None, :] * pm_b[:, :, :, None]).reshape(B, NP * D, C)
    bev = jax.vmap(lambda wf, i: jax.ops.segment_sum(wf, i, num_segments=GP))(
        wflat, idx_t.reshape(B, NP * D))

    y2 = pl.pallas_call(
        _bev_conv_kernel,
        grid=(B,),
        in_specs=[
            batched((GP, C)), full((G42, 1)), full((3, 3, C, C)),
            full((1, C)), full((1, C)), full((1, C)), full((3, 3, C, C)),
            full((1, C)), full((1, C)), full((1, C)),
        ],
        out_specs=[batched((G42, C))],
        out_shape=[jax.ShapeDtypeStruct((B, G42, C), f32)],
    )(bev, m42, w1b, b1b, g1s, beta1, w2b, b2b, g2s, beta2)[0]

    out = jnp.transpose(
        y2.reshape(B, NZ, GW, C)[:, :, 1:1 + NX, :], (0, 3, 1, 2))
    return out

# --- scband reference (transcript-rebuilt; emitter-appended) ---
"""Pipeline reference for scband-bevlifter-46239617909270 (READ-ONLY COPY).

The authoritative reference and input builder live on the scoring server;
editing this copy changes nothing except your own understanding.
"""

import jax, jax.numpy as jnp
import numpy as np

D = 48
C = 64
NX = 40
NZ = 99
X0 = -10.0
Z0 = 0.5
RES = 0.5

def conv2d(x, w, b, pad):
    out = jax.lax.conv_general_dilated(x, w, window_strides=(1, 1), padding=[(pad, pad), (pad, pad)], dimension_numbers=('NCHW', 'OIHW', 'NCHW'))
    return out + b[None, :, None, None]

def bn(x, g, bta):
    # eval-mode batchnorm with running_mean=0, running_var=1
    return g[None, :, None, None] * x / jnp.sqrt(1.0 + 1e-5) + bta[None, :, None, None]

def setup_inputs(seed: int = 0):
    key = jax.random.key(seed)
    ks = jax.random.split(key, 24)
    B, Cin, Hf, Wf = 4, 256, 32, 88
    s = 0.05
    inp = {}
    inp['encoder_features'] = jax.random.normal(ks[0], (B, Cin, Hf, Wf), jnp.float32)
    inp['K'] = jax.random.normal(ks[1], (B, 3, 3), jnp.float32)
    inp['img_shape'] = jax.random.randint(ks[2], (2,), 256, 512, dtype=jnp.int32)
    inp['reduce_w'] = jax.random.normal(ks[3], (C, Cin, 1, 1), jnp.float32) * s
    inp['reduce_b'] = jnp.zeros((C,), jnp.float32)
    inp['reduce_g'] = jnp.ones((C,), jnp.float32)
    inp['reduce_beta'] = jnp.zeros((C,), jnp.float32)
    inp['dp_w1'] = jax.random.normal(ks[4], (C, C, 3, 3), jnp.float32) * s
    inp['dp_b1'] = jnp.zeros((C,), jnp.float32)
    inp['dp_g'] = jnp.ones((C,), jnp.float32)
    inp['dp_beta'] = jnp.zeros((C,), jnp.float32)
    inp['dp_w2'] = jax.random.normal(ks[5], (D, C, 1, 1), jnp.float32) * s
    inp['dp_b2'] = jnp.zeros((D,), jnp.float32)
    inp['be_w1'] = jax.random.normal(ks[6], (C, C, 3, 3), jnp.float32) * s
    inp['be_b1'] = jnp.zeros((C,), jnp.float32)
    inp['be_g1'] = jnp.ones((C,), jnp.float32)
    inp['be_beta1'] = jnp.zeros((C,), jnp.float32)
    inp['be_w2'] = jax.random.normal(ks[7], (C, C, 3, 3), jnp.float32) * s
    inp['be_b2'] = jnp.zeros((C,), jnp.float32)
    inp['be_g2'] = jnp.ones((C,), jnp.float32)
    inp['be_beta2'] = jnp.zeros((C,), jnp.float32)
    inp['depth_centers'] = jnp.linspace(0.5, 50.0, D)
    return inp

def reference(encoder_features, K, img_shape, reduce_w, reduce_b, reduce_g, reduce_beta, dp_w1, dp_b1, dp_g, dp_beta, dp_w2, dp_b2, be_w1, be_b1, be_g1, be_beta1, be_w2, be_b2, be_g2, be_beta2, depth_centers):
    B, Cin, Hf, Wf = encoder_features.shape
    H = img_shape[0]
    W = img_shape[1]
    context = jax.nn.relu(bn(conv2d(encoder_features, reduce_w, reduce_b, 0), reduce_g, reduce_beta))
    h = jax.nn.relu(bn(conv2d(context, dp_w1, dp_b1, 1), dp_g, dp_beta))
    depth_logits = conv2d(h, dp_w2, dp_b2, 0)
    depth_probs = jax.nn.softmax(depth_logits, axis=1)
    sx = Wf / W
    sy = Hf / H
    row_scale = jnp.stack([sx * jnp.ones(3, jnp.float32), sy * jnp.ones(3, jnp.float32), jnp.ones(3, jnp.float32)], axis=0)
    K_s = K * row_scale[None]
    K_inv = jnp.linalg.inv(K_s)
    v, u = jnp.meshgrid(jnp.arange(Hf, dtype=jnp.float32), jnp.arange(Wf, dtype=jnp.float32), indexing='ij')
    pix = jnp.stack([u, v, jnp.ones_like(u)], axis=0).reshape(3, -1)
    rays = jnp.einsum('bij,jn->bin', K_inv, pix)
    N = Hf * Wf
    dc = depth_centers.reshape(1, D, 1)
    x3 = rays[:, 0:1, :] * dc
    z3 = rays[:, 2:3, :] * dc
    bx = ((x3 - X0) / RES).astype(jnp.int32)
    bz = ((z3 - Z0) / RES).astype(jnp.int32)
    valid = (bx >= 0) & (bx < NX) & (bz >= 0) & (bz < NZ)
    ctx_flat = context.reshape(B, C, N)
    prob_flat = depth_probs.reshape(B, D, N)
    weighted = (ctx_flat[:, :, None, :] * prob_flat[:, None, :, :]).reshape(B, C, D * N)
    bev_idx = jnp.clip((bz * NX + bx).reshape(B, D * N), 0, NZ * NX - 1)
    weighted = weighted * valid.reshape(B, D * N)[:, None, :].astype(weighted.dtype)
    def scat(wf, idx):
        return jax.ops.segment_sum(wf.T, idx, num_segments=NZ * NX).T
    bev = jax.vmap(scat)(weighted, bev_idx).reshape(B, C, NZ, NX)
    bev = jax.nn.relu(bn(conv2d(bev, be_w1, be_b1, 1), be_g1, be_beta1))
    bev = jax.nn.relu(bn(conv2d(bev, be_w2, be_b2, 1), be_g2, be_beta2))
    return bev

if __name__ == "__main__":
    import jax
    _d = setup_inputs()
    print(jax.jit(kernel)(*tuple(_d.values())))

</pallas_src>

<mosaic_0001>
module attributes {stable_mosaic.version = 14 : i64} {
  func.func @_front_kernel(%arg0: i32, %arg1: memref<1x2880x256xf32, #tpu.memory_space<vmem>>, %arg2: memref<1x2880x1xf32, #tpu.memory_space<vmem>>, %arg3: memref<1x2880x1xf32, #tpu.memory_space<vmem>>, %arg4: memref<2880x1xf32, #tpu.memory_space<vmem>>, %arg5: memref<256x64xf32, #tpu.memory_space<vmem>>, %arg6: memref<1x64xf32, #tpu.memory_space<vmem>>, %arg7: memref<1x64xf32, #tpu.memory_space<vmem>>, %arg8: memref<1x64xf32, #tpu.memory_space<vmem>>, %arg9: memref<3x3x64x64xf32, #tpu.memory_space<vmem>>, %arg10: memref<1x64xf32, #tpu.memory_space<vmem>>, %arg11: memref<1x64xf32, #tpu.memory_space<vmem>>, %arg12: memref<1x64xf32, #tpu.memory_space<vmem>>, %arg13: memref<64x48xf32, #tpu.memory_space<vmem>>, %arg14: memref<1x48xf32, #tpu.memory_space<vmem>>, %arg15: memref<1x48xf32, #tpu.memory_space<vmem>>, %arg16: memref<1x3072x128xf32, #tpu.memory_space<vmem>>, %arg17: memref<1x3072x48xi32, #tpu.memory_space<vmem>>) attributes {dimension_semantics = [#tpu.dimension_semantics<arbitrary>], iteration_bounds = array<i64: 4>, scalar_prefetch = 0 : i64, scratch_operands = 0 : i64, tpu.core_type = #tpu.core_type<tc>, window_params = [{transform_indices = @transform_0, window_bounds = array<i64: 1, 2880, 256>}, {transform_indices = @transform_1, window_bounds = array<i64: 1, 2880, 1>}, {transform_indices = @transform_2, window_bounds = array<i64: 1, 2880, 1>}, {pipeline_mode = #tpu.pipeline_mode<synchronous>, transform_indices = @transform_3, window_bounds = array<i64: 2880, 1>}, {pipeline_mode = #tpu.pipeline_mode<synchronous>, transform_indices = @transform_4, window_bounds = array<i64: 256, 64>}, {pipeline_mode = #tpu.pipeline_mode<synchronous>, transform_indices = @transform_5, window_bounds = array<i64: 1, 64>}, {pipeline_mode = #tpu.pipeline_mode<synchronous>, transform_indices = @transform_6, window_bounds = array<i64: 1, 64>}, {pipeline_mode = #tpu.pipeline_mode<synchronous>, transform_indices = @transform_7, window_bounds = array<i64: 1, 64>}, {pipeline_mode = #tpu.pipeline_mode<synchronous>, transform_indices = @transform_8, window_bounds = array<i64: 3, 3, 64, 64>}, {pipeline_mode = #tpu.pipeline_mode<synchronous>, transform_indices = @transform_9, window_bounds = array<i64: 1, 64>}, {pipeline_mode = #tpu.pipeline_mode<synchronous>, transform_indices = @transform_10, window_bounds = array<i64: 1, 64>}, {pipeline_mode = #tpu.pipeline_mode<synchronous>, transform_indices = @transform_11, window_bounds = array<i64: 1, 64>}, {pipeline_mode = #tpu.pipeline_mode<synchronous>, transform_indices = @transform_12, window_bounds = array<i64: 64, 48>}, {pipeline_mode = #tpu.pipeline_mode<synchronous>, transform_indices = @transform_13, window_bounds = array<i64: 1, 48>}, {pipeline_mode = #tpu.pipeline_mode<synchronous>, transform_indices = @transform_14, window_bounds = array<i64: 1, 48>}, {transform_indices = @transform_15, window_bounds = array<i64: 1, 3072, 128>}, {transform_indices = @transform_16, window_bounds = array<i64: 1, 3072, 48>}]} {
    %get3A = arith.constant 0 : index
    %get3A_0 = arith.constant 0 : index
    %get3A_1 = arith.constant 0 : index
    %get3A_2 = vector.load %arg1[%get3A, %get3A_0, %get3A_1] : memref<1x2880x256xf32, #tpu.memory_space<vmem>>, vector<1x2880x256xf32>
    %get3A_3 = vector.shape_cast %get3A_2 : vector<1x2880x256xf32> to vector<2880x256xf32>
    %get3A_4 = arith.constant 0 : index
    %get3A_5 = arith.constant 0 : index
    %get3A_6 = vector.load %arg5[%get3A_4, %get3A_5] : memref<256x64xf32, #tpu.memory_space<vmem>>, vector<256x64xf32>
    %dot_general3A = arith.constant dense<0.000000e+00> : vector<2880x64xf32>
    %dot_general3A_7 = tpu.matmul %get3A_3, %get3A_6, %dot_general3A {dimension_numbers = #tpu.dot_dimension_numbers<[1], [0], [0], [1], [0, 0, 1, 1], [], []>, transpose_lhs_hint = false} : vector<2880x256xf32>, vector<256x64xf32>, vector<2880x64xf32> -> vector<2880x64xf32>
    %get3A_8 = arith.constant 0 : index
    %get3A_9 = arith.constant 0 : index
    %get3A_10 = vector.load %arg6[%get3A_8, %get3A_9] : memref<1x64xf32, #tpu.memory_space<vmem>>, vector<1x64xf32>
    %add3A = vector.broadcast %get3A_10 : vector<1x64xf32> to vector<2880x64xf32>
    %add3A_11 = arith.addf %dot_general3A_7, %add3A : vector<2880x64xf32>
    %get3A_12 = arith.constant 0 : index
    %get3A_13 = arith.constant 0 : index
    %get3A_14 = vector.load %arg7[%get3A_12, %get3A_13] : memref<1x64xf32, #tpu.memory_space<vmem>>, vector<1x64xf32>
    %mul3A = vector.broadcast %get3A_14 : vector<1x64xf32> to vector<2880x64xf32>
    %mul3A_15 = arith.mulf %add3A_11, %mul3A : vector<2880x64xf32>
    %get3A_16 = arith.constant 0 : index
    %get3A_17 = arith.constant 0 : index
    %get3A_18 = vector.load %arg8[%get3A_16, %get3A_17] : memref<1x64xf32, #tpu.memory_space<vmem>>, vector<1x64xf32>
    %add3A_19 = vector.broadcast %get3A_18 : vector<1x64xf32> to vector<2880x64xf32>
    %add3A_20 = arith.addf %mul3A_15, %add3A_19 : vector<2880x64xf32>
    %max3A = arith.constant 0.000000e+00 : f32
    %max3A_21 = vector.broadcast %max3A : f32 to vector<2880x64xf32>
    %max3A_22 = arith.maximumf %add3A_20, %max3A_21 : vector<2880x64xf32>
    %get3A_23 = arith.constant 0 : index
    %get3A_24 = arith.constant 0 : index
    %get3A_25 = vector.load %arg4[%get3A_23, %get3A_24] : memref<2880x1xf32, #tpu.memory_space<vmem>>, vector<2880x1xf32>
    %mul3A_26 = vector.broadcast %get3A_25 : vector<2880x1xf32> to vector<2880x64xf32>
    %mul3A_27 = arith.mulf %max3A_22, %mul3A_26 : vector<2880x64xf32>
    %broadcast_in_dim3A = arith.constant 0.000000e+00 : f32
    %broadcast_in_dim3A_28 = vector.broadcast %broadcast_in_dim3A : f32 to vector<96x64xf32>
    %concatenate3A = tpu.concatenate %broadcast_in_dim3A_28, %mul3A_27, %broadcast_in_dim3A_28 in 0 : vector<96x64xf32>, vector<2880x64xf32>, vector<96x64xf32> -> vector<3072x64xf32>
    %broadcast_in_dim3A_29 = arith.constant 0.000000e+00 : f32
    %broadcast_in_dim3A_30 = vector.broadcast %broadcast_in_dim3A_29 : f32 to vector<2880x64xf32>
    %slice3A = vector.extract_strided_slice %concatenate3A {offsets = [5, 0], sizes = [2880, 64], strides = [1, 1]} : vector<3072x64xf32> to vector<2880x64xf32>
    %get3A_31 = arith.constant 0 : index
    %get3A_32 = arith.constant 0 : index
    %get3A_33 = arith.constant 0 : index
    %get3A_34 = arith.constant 0 : index
    %get3A_35 = vector.load %arg9[%get3A_31, %get3A_32, %get3A_33, %get3A_34] : memref<3x3x64x64xf32, #tpu.memory_space<vmem>>, vector<1x1x64x64xf32>
    %get3A_36 = vector.shape_cast %get3A_35 : vector<1x1x64x64xf32> to vector<64x64xf32>
    %dot_general3A_37 = arith.constant dense<0.000000e+00> : vector<2880x64xf32>
    %dot_general3A_38 = tpu.matmul %slice3A, %get3A_36, %dot_general3A_37 {dimension_numbers = #tpu.dot_dimension_numbers<[1], [0], [0], [1], [0, 0, 1, 1], [], []>, transpose_lhs_hint = false} : vector<2880x64xf32>, vector<64x64xf32>, vector<2880x64xf32> -> vector<2880x64xf32>
    %add3A_39 = arith.addf %broadcast_in_dim3A_30, %dot_general3A_38 : vector<2880x64xf32>
    %slice3A_40 = vector.extract_strided_slice %concatenate3A {offsets = [6, 0], sizes = [2880, 64], strides = [1, 1]} : vector<3072x64xf32> to vector<2880x64xf32>
    %get3A_41 = arith.constant 0 : index
    %get3A_42 = arith.constant 1 : index
    %get3A_43 = arith.constant 0 : index
    %get3A_44 = arith.constant 0 : index
    %get3A_45 = vector.load %arg9[%get3A_41, %get3A_42, %get3A_43, %get3A_44] : memref<3x3x64x64xf32, #tpu.memory_space<vmem>>, vector<1x1x64x64xf32>
    %get3A_46 = vector.shape_cast %get3A_45 : vector<1x1x64x64xf32> to vector<64x64xf32>
    %dot_general3A_47 = arith.constant dense<0.000000e+00> : vector<2880x64xf32>
    %dot_general3A_48 = tpu.matmul %slice3A_40, %get3A_46, %dot_general3A_47 {dimension_numbers = #tpu.dot_dimension_numbers<[1], [0], [0], [1], [0, 0, 1, 1], [], []>, transpose_lhs_hint = false} : vector<2880x64xf32>, vector<64x64xf32>, vector<2880x64xf32> -> vector<2880x64xf32>
    %add3A_49 = arith.addf %add3A_39, %dot_general3A_48 : vector<2880x64xf32>
    %slice3A_50 = vector.extract_strided_slice %concatenate3A {offsets = [7, 0], sizes = [2880, 64], strides = [1, 1]} : vector<3072x64xf32> to vector<2880x64xf32>
    %get3A_51 = arith.constant 0 : index
    %get3A_52 = arith.constant 2 : index
    %get3A_53 = arith.constant 0 : index
    %get3A_54 = arith.constant 0 : index
    %get3A_55 = vector.load %arg9[%get3A_51, %get3A_52, %get3A_53, %get3A_54] : memref<3x3x64x64xf32, #tpu.memory_space<vmem>>, vector<1x1x64x64xf32>
    %get3A_56 = vector.shape_cast %get3A_55 : vector<1x1x64x64xf32> to vector<64x64xf32>
    %dot_general3A_57 = arith.constant dense<0.000000e+00> : vector<2880x64xf32>
    %dot_general3A_58 = tpu.matmul %slice3A_50, %get3A_56, %dot_general3A_57 {dimension_numbers = #tpu.dot_dimension_numbers<[1], [0], [0], [1], [0, 0, 1, 1], [], []>, transpose_lhs_hint = false} : vector<2880x64xf32>, vector<64x64xf32>, vector<2880x64xf32> -> vector<2880x64xf32>
    %add3A_59 = arith.addf %add3A_49, %dot_general3A_58 : vector<2880x64xf32>
    %slice3A_60 = vector.extract_strided_slice %concatenate3A {offsets = [95, 0], sizes = [2880, 64], strides = [1, 1]} : vector<3072x64xf32> to vector<2880x64xf32>
    %get3A_61 = arith.constant 1 : index
    %get3A_62 = arith.constant 0 : index
    %get3A_63 = arith.constant 0 : index
    %get3A_64 = arith.constant 0 : index
    %get3A_65 = vector.load %arg9[%get3A_61, %get3A_62, %get3A_63, %get3A_64] : memref<3x3x64x64xf32, #tpu.memory_space<vmem>>, vector<1x1x64x64xf32>
    %get3A_66 = vector.shape_cast %get3A_65 : vector<1x1x64x64xf32> to vector<64x64xf32>
    %dot_general3A_67 = arith.constant dense<0.000000e+00> : vector<2880x64xf32>
    %dot_general3A_68 = tpu.matmul %slice3A_60, %get3A_66, %dot_general3A_67 {dimension_numbers = #tpu.dot_dimension_numbers<[1], [0], [0], [1], [0, 0, 1, 1], [], []>, transpose_lhs_hint = false} : vector<2880x64xf32>, vector<64x64xf32>, vector<2880x64xf32> -> vector<2880x64xf32>
    %add3A_69 = arith.addf %add3A_59, %dot_general3A_68 : vector<2880x64xf32>
    %slice3A_70 = vector.extract_strided_slice %concatenate3A {offsets = [96, 0], sizes = [2880, 64], strides = [1, 1]} : vector<3072x64xf32> to vector<2880x64xf32>
    %get3A_71 = arith.constant 1 : index
    %get3A_72 = arith.constant 1 : index
    %get3A_73 = arith.constant 0 : index
    %get3A_74 = arith.constant 0 : index
    %get3A_75 = vector.load %arg9[%get3A_71, %get3A_72, %get3A_73, %get3A_74] : memref<3x3x64x64xf32, #tpu.memory_space<vmem>>, vector<1x1x64x64xf32>
    %get3A_76 = vector.shape_cast %get3A_75 : vector<1x1x64x64xf32> to vector<64x64xf32>
    %dot_general3A_77 = arith.constant dense<0.000000e+00> : vector<2880x64xf32>
    %dot_general3A_78 = tpu.matmul %slice3A_70, %get3A_76, %dot_general3A_77 {dimension_numbers = #tpu.dot_dimension_numbers<[1], [0], [0], [1], [0, 0, 1, 1], [], []>, transpose_lhs_hint = false} : vector<2880x64xf32>, vector<64x64xf32>, vector<2880x64xf32> -> vector<2880x64xf32>
    %add3A_79 = arith.addf %add3A_69, %dot_general3A_78 : vector<2880x64xf32>
    %slice3A_80 = vector.extract_strided_slice %concatenate3A {offsets = [97, 0], sizes = [2880, 64], strides = [1, 1]} : vector<3072x64xf32> to vector<2880x64xf32>
    %get3A_81 = arith.constant 1 : index
    %get3A_82 = arith.constant 2 : index
    %get3A_83 = arith.constant 0 : index
    %get3A_84 = arith.constant 0 : index
    %get3A_85 = vector.load %arg9[%get3A_81, %get3A_82, %get3A_83, %get3A_84] : memref<3x3x64x64xf32, #tpu.memory_space<vmem>>, vector<1x1x64x64xf32>
    %get3A_86 = vector.shape_cast %get3A_85 : vector<1x1x64x64xf32> to vector<64x64xf32>
    %dot_general3A_87 = arith.constant dense<0.000000e+00> : vector<2880x64xf32>
    %dot_general3A_88 = tpu.matmul %slice3A_80, %get3A_86, %dot_general3A_87 {dimension_numbers = #tpu.dot_dimension_numbers<[1], [0], [0], [1], [0, 0, 1, 1], [], []>, transpose_lhs_hint = false} : vector<2880x64xf32>, vector<64x64xf32>, vector<2880x64xf32> -> vector<2880x64xf32>
    %add3A_89 = arith.addf %add3A_79, %dot_general3A_88 : vector<2880x64xf32>
    %slice3A_90 = vector.extract_strided_slice %concatenate3A {offsets = [185, 0], sizes = [2880, 64], strides = [1, 1]} : vector<3072x64xf32> to vector<2880x64xf32>
    %get3A_91 = arith.constant 2 : index
    %get3A_92 = arith.constant 0 : index
    %get3A_93 = arith.constant 0 : index
    %get3A_94 = arith.constant 0 : index
    %get3A_95 = vector.load %arg9[%get3A_91, %get3A_92, %get3A_93, %get3A_94] : memref<3x3x64x64xf32, #tpu.memory_space<vmem>>, vector<1x1x64x64xf32>
    %get3A_96 = vector.shape_cast %get3A_95 : vector<1x1x64x64xf32> to vector<64x64xf32>
    %dot_general3A_97 = arith.constant dense<0.000000e+00> : vector<2880x64xf32>
    %dot_general3A_98 = tpu.matmul %slice3A_90, %get3A_96, %dot_general3A_97 {dimension_numbers = #tpu.dot_dimension_numbers<[1], [0], [0], [1], [0, 0, 1, 1], [], []>, transpose_lhs_hint = false} : vector<2880x64xf32>, vector<64x64xf32>, vector<2880x64xf32> -> vector<2880x64xf32>
    %add3A_99 = arith.addf %add3A_89, %dot_general3A_98 : vector<2880x64xf32>
    %slice3A_100 = vector.extract_strided_slice %concatenate3A {offsets = [186, 0], sizes = [2880, 64], strides = [1, 1]} : vector<3072x64xf32> to vector<2880x64xf32>
    %get3A_101 = arith.constant 2 : index
    %get3A_102 = arith.constant 1 : index
    %get3A_103 = arith.constant 0 : index
    %get3A_104 = arith.constant 0 : index
    %get3A_105 = vector.load %arg9[%get3A_101, %get3A_102, %get3A_103, %get3A_104] : memref<3x3x64x64xf32, #tpu.memory_space<vmem>>, vector<1x1x64x64xf32>
    %get3A_106 = vector.shape_cast %get3A_105 : vector<1x1x64x64xf32> to vector<64x64xf32>
    %dot_general3A_107 = arith.constant dense<0.000000e+00> : vector<2880x64xf32>
    %dot_general3A_108 = tpu.matmul %slice3A_100, %get3A_106, %dot_general3A_107 {dimension_numbers = #tpu.dot_dimension_numbers<[1], [0], [0], [1], [0, 0, 1, 1], [], []>, transpose_lhs_hint = false} : vector<2880x64xf32>, vector<64x64xf32>, vector<2880x64xf32> -> vector<2880x64xf32>
    %add3A_109 = arith.addf %add3A_99, %dot_general3A_108 : vector<2880x64xf32>
    %slice3A_110 = vector.extract_strided_slice %concatenate3A {offsets = [187, 0], sizes = [2880, 64], strides = [1, 1]} : vector<3072x64xf32> to vector<2880x64xf32>
    %get3A_111 = arith.constant 2 : index
    %get3A_112 = arith.constant 2 : index
    %get3A_113 = arith.constant 0 : index
    %get3A_114 = arith.constant 0 : index
    %get3A_115 = vector.load %arg9[%get3A_111, %get3A_112, %get3A_113, %get3A_114] : memref<3x3x64x64xf32, #tpu.memory_space<vmem>>, vector<1x1x64x64xf32>
    %get3A_116 = vector.shape_cast %get3A_115 : vector<1x1x64x64xf32> to vector<64x64xf32>
    %dot_general3A_117 = arith.constant dense<0.000000e+00> : vector<2880x64xf32>
    %dot_general3A_118 = tpu.matmul %slice3A_110, %get3A_116, %dot_general3A_117 {dimension_numbers = #tpu.dot_dimension_numbers<[1], [0], [0], [1], [0, 0, 1, 1], [], []>, transpose_lhs_hint = false} : vector<2880x64xf32>, vector<64x64xf32>, vector<2880x64xf32> -> vector<2880x64xf32>
    %add3A_119 = arith.addf %add3A_109, %dot_general3A_118 : vector<2880x64xf32>
    %get3A_120 = arith.constant 0 : index
    %get3A_121 = arith.constant 0 : index
    %get3A_122 = vector.load %arg10[%get3A_120, %get3A_121] : memref<1x64xf32, #tpu.memory_space<vmem>>, vector<1x64xf32>
    %add3A_123 = vector.broadcast %get3A_122 : vector<1x64xf32> to vector<2880x64xf32>
    %add3A_124 = arith.addf %add3A_119, %add3A_123 : vector<2880x64xf32>
    %get3A_125 = arith.constant 0 : index
    %get3A_126 = arith.constant 0 : index
    %get3A_127 = vector.load %arg11[%get3A_125, %get3A_126] : memref<1x64xf32, #tpu.memory_space<vmem>>, vector<1x64xf32>
    %mul3A_128 = vector.broadcast %get3A_127 : vector<1x64xf32> to vector<2880x64xf32>
    %mul3A_129 = arith.mulf %add3A_124, %mul3A_128 : vector<2880x64xf32>
    %get3A_130 = arith.constant 0 : index
    %get3A_131 = arith.constant 0 : index
    %get3A_132 = vector.load %arg12[%get3A_130, %get3A_131] : memref<1x64xf32, #tpu.memory_space<vmem>>, vector<1x64xf32>
    %add3A_133 = vector.broadcast %get3A_132 : vector<1x64xf32> to vector<2880x64xf32>
    %add3A_134 = arith.addf %mul3A_129, %add3A_133 : vector<2880x64xf32>
    %max3A_135 = arith.constant 0.000000e+00 : f32
    %max3A_136 = vector.broadcast %max3A_135 : f32 to vector<2880x64xf32>
    %max3A_137 = arith.maximumf %add3A_134, %max3A_136 : vector<2880x64xf32>
    %get3A_138 = arith.constant 0 : index
    %get3A_139 = arith.constant 0 : index
    %get3A_140 = vector.load %arg13[%get3A_138, %get3A_139] : memref<64x48xf32, #tpu.memory_space<vmem>>, vector<64x48xf32>
    %dot_general3A_141 = arith.constant dense<0.000000e+00> : vector<2880x48xf32>
    %dot_general3A_142 = tpu.matmul %max3A_137, %get3A_140, %dot_general3A_141 {dimension_numbers = #tpu.dot_dimension_numbers<[1], [0], [0], [1], [0, 0, 1, 1], [], []>, transpose_lhs_hint = false} : vector<2880x64xf32>, vector<64x48xf32>, vector<2880x48xf32> -> vector<2880x48xf32>
    %get3A_143 = arith.constant 0 : index
    %get3A_144 = arith.constant 0 : index
    %get3A_145 = vector.load %arg14[%get3A_143, %get3A_144] : memref<1x48xf32, #tpu.memory_space<vmem>>, vector<1x48xf32>
    %add3A_146 = vector.broadcast %get3A_145 : vector<1x48xf32> to vector<2880x48xf32>
    %add3A_147 = arith.addf %dot_general3A_142, %add3A_146 : vector<2880x48xf32>
    %reduce_max3A = arith.constant dense<0xFF800000> : vector<2880xf32>
    %reduce_max3A_148 = vector.multi_reduction <maximumf>, %add3A_147, %reduce_max3A [1] : vector<2880x48xf32> to vector<2880xf32>
    %broadcast_in_dim3A_149 = vector.shape_cast %reduce_max3A_148 : vector<2880xf32> to vector<2880x1xf32>
    %sub3A = vector.broadcast %broadcast_in_dim3A_149 : vector<2880x1xf32> to vector<2880x48xf32>
    %sub3A_150 = arith.subf %add3A_147, %sub3A : vector<2880x48xf32>
    %exp3A = math.exp %sub3A_150 : vector<2880x48xf32>
    %reduce_sum3A = arith.constant dense<0.000000e+00> : vector<2880xf32>
    %reduce_sum3A_151 = vector.multi_reduction <add>, %exp3A, %reduce_sum3A [1] : vector<2880x48xf32> to vector<2880xf32>
    %broadcast_in_dim3A_152 = vector.shape_cast %reduce_sum3A_151 : vector<2880xf32> to vector<2880x1xf32>
    %div3A = vector.broadcast %broadcast_in_dim3A_152 : vector<2880x1xf32> to vector<2880x48xf32>
    %div3A_153 = arith.divf %exp3A, %div3A : vector<2880x48xf32>
    %get3A_154 = arith.constant 0 : index
    %get3A_155 = arith.constant 0 : index
    %get3A_156 = arith.constant 0 : index
    %get3A_157 = vector.load %arg2[%get3A_154, %get3A_155, %get3A_156] : memref<1x2880x1xf32, #tpu.memory_space<vmem>>, vector<1x2880x1xf32>
    %get3A_158 = vector.shape_cast %get3A_157 : vector<1x2880x1xf32> to vector<2880x1xf32>
    %get3A_159 = arith.constant 0 : index
    %get3A_160 = arith.constant 0 : index
    %get3A_161 = vector.load %arg15[%get3A_159, %get3A_160] : memref<1x48xf32, #tpu.memory_space<vmem>>, vector<1x48xf32>
    %mul3A_162 = vector.broadcast %get3A_158 : vector<2880x1xf32> to vector<2880x48xf32>
    %mul3A_163 = vector.broadcast %get3A_161 : vector<1x48xf32> to vector<2880x48xf32>
    %mul3A_164 = arith.mulf %mul3A_162, %mul3A_163 : vector<2880x48xf32>
    %get3A_165 = arith.constant 0 : index
    %get3A_166 = arith.constant 0 : index
    %get3A_167 = arith.constant 0 : index
    %get3A_168 = vector.load %arg3[%get3A_165, %get3A_166, %get3A_167] : memref<1x2880x1xf32, #tpu.memory_space<vmem>>, vector<1x2880x1xf32>
    %get3A_169 = vector.shape_cast %get3A_168 : vector<1x2880x1xf32> to vector<2880x1xf32>
    %get3A_170 = arith.constant 0 : index
    %get3A_171 = arith.constant 0 : index
    %get3A_172 = vector.load %arg15[%get3A_170, %get3A_171] : memref<1x48xf32, #tpu.memory_space<vmem>>, vector<1x48xf32>
    %mul3A_173 = vector.broadcast %get3A_169 : vector<2880x1xf32> to vector<2880x48xf32>
    %mul3A_174 = vector.broadcast %get3A_172 : vector<1x48xf32> to vector<2880x48xf32>
    %mul3A_175 = arith.mulf %mul3A_173, %mul3A_174 : vector<2880x48xf32>
    %sub3A_176 = arith.constant -1.000000e+01 : f32
    %sub3A_177 = vector.broadcast %sub3A_176 : f32 to vector<2880x48xf32>
    %sub3A_178 = arith.subf %mul3A_164, %sub3A_177 : vector<2880x48xf32>
    %div3A_179 = arith.constant 5.000000e-01 : f32
    %div3A_180 = vector.broadcast %div3A_179 : f32 to vector<2880x48xf32>
    %div3A_181 = arith.divf %sub3A_178, %div3A_180 : vector<2880x48xf32>
    %convert_element_type3A = arith.fptosi %div3A_181 : vector<2880x48xf32> to vector<2880x48xi32>
    %sub3A_182 = arith.constant 5.000000e-01 : f32
    %sub3A_183 = vector.broadcast %sub3A_182 : f32 to vector<2880x48xf32>
    %sub3A_184 = arith.subf %mul3A_175, %sub3A_183 : vector<2880x48xf32>
    %div3A_185 = arith.constant 5.000000e-01 : f32
    %div3A_186 = vector.broadcast %div3A_185 : f32 to vector<2880x48xf32>
    %div3A_187 = arith.divf %sub3A_184, %div3A_186 : vector<2880x48xf32>
    %convert_element_type3A_188 = arith.fptosi %div3A_187 : vector<2880x48xf32> to vector<2880x48xi32>
    %ge3A = arith.constant 0 : i32
    %ge3A_189 = vector.broadcast %ge3A : i32 to vector<2880x48xi32>
    %ge3A_190 = arith.cmpi sge, %convert_element_type3A, %ge3A_189 : vector<2880x48xi32>
    %lt3A = arith.constant 40 : i32
    %lt3A_191 = vector.broadcast %lt3A : i32 to vector<2880x48xi32>
    %lt3A_192 = arith.cmpi slt, %convert_element_type3A, %lt3A_191 : vector<2880x48xi32>
    %and3A = arith.andi %ge3A_190, %lt3A_192 : vector<2880x48xi1>
    %ge3A_193 = arith.constant 0 : i32
    %ge3A_194 = vector.broadcast %ge3A_193 : i32 to vector<2880x48xi32>
    %ge3A_195 = arith.cmpi sge, %convert_element_type3A_188, %ge3A_194 : vector<2880x48xi32>
    %and3A_196 = arith.andi %and3A, %ge3A_195 : vector<2880x48xi1>
    %lt3A_197 = arith.constant 99 : i32
    %lt3A_198 = vector.broadcast %lt3A_197 : i32 to vector<2880x48xi32>
    %lt3A_199 = arith.cmpi slt, %convert_element_type3A_188, %lt3A_198 : vector<2880x48xi32>
    %and3A_200 = arith.andi %and3A_196, %lt3A_199 : vector<2880x48xi1>
    %mul3A_201 = arith.constant 42 : i32
    %mul3A_202 = vector.broadcast %mul3A_201 : i32 to vector<2880x48xi32>
    %mul3A_203 = arith.muli %convert_element_type3A_188, %mul3A_202 : vector<2880x48xi32>
    %add3A_204 = arith.addi %mul3A_203, %convert_element_type3A : vector<2880x48xi32>
    %add3A_205 = arith.constant 1 : i32
    %add3A_206 = vector.broadcast %add3A_205 : i32 to vector<2880x48xi32>
    %add3A_207 = arith.addi %add3A_204, %add3A_206 : vector<2880x48xi32>
    %jit3A = arith.constant 0 : i32
    %broadcast_in_dim3A_208 = vector.broadcast %jit3A : i32 to vector<2880x48xi32>
    %select_n3A = arith.select %and3A_200, %add3A_207, %broadcast_in_dim3A_208 : vector<2880x48xi1>, vector<2880x48xi32>
    %convert_element_type3A_209 = arith.extui %and3A_200 : vector<2880x48xi1> to vector<2880x48xi32>
    %convert_element_type3A_210 = arith.sitofp %convert_element_type3A_209 : vector<2880x48xi32> to vector<2880x48xf32>
    %mul3A_211 = arith.mulf %div3A_153, %convert_element_type3A_210 : vector<2880x48xf32>
    %get3A_212 = arith.constant 0 : index
    %get3A_213 = arith.constant 0 : index
    %get3A_214 = vector.load %arg4[%get3A_212, %get3A_213] : memref<2880x1xf32, #tpu.memory_space<vmem>>, vector<2880x1xf32>
    %mul3A_215 = vector.broadcast %get3A_214 : vector<2880x1xf32> to vector<2880x48xf32>
    %mul3A_216 = arith.mulf %mul3A_211, %mul3A_215 : vector<2880x48xf32>
    %broadcast_in_dim3A_217 = arith.constant 0.000000e+00 : f32
    %broadcast_in_dim3A_218 = vector.broadcast %broadcast_in_dim3A_217 : f32 to vector<2880x16xf32>
    %concatenate3A_219 = tpu.concatenate %mul3A_27, %mul3A_216, %broadcast_in_dim3A_218 in 1 : vector<2880x64xf32>, vector<2880x48xf32>, vector<2880x16xf32> -> vector<2880x128xf32>
    %swap3A = arith.constant 0 : index
    %swap3A_220 = arith.constant 0 : index
    %swap3A_221 = arith.constant 0 : index
    %swap3A_222 = vector.load %arg16[%swap3A, %swap3A_220, %swap3A_221] : memref<1x3072x128xf32, #tpu.memory_space<vmem>>, vector<1x2880x128xf32>
    %swap3A_223 = vector.shape_cast %swap3A_222 : vector<1x2880x128xf32> to vector<2880x128xf32>
    %swap3A_224 = vector.shape_cast %concatenate3A_219 : vector<2880x128xf32> to vector<1x2880x128xf32>
    tpu.vector_store %arg16[%swap3A, %swap3A_220, %swap3A_221], %swap3A_224 {strides = array<i32>} : memref<1x3072x128xf32, #tpu.memory_space<vmem>>, vector<1x2880x128xf32>,
    %broadcast_in_dim3A_225 = arith.constant 0.000000e+00 : f32
    %broadcast_in_dim3A_226 = vector.broadcast %broadcast_in_dim3A_225 : f32 to vector<192x128xf32>
    %swap3A_227 = arith.constant 0 : index
    %swap3A_228 = arith.constant 2880 : index
    %swap3A_229 = arith.constant 0 : index
    %swap3A_230 = vector.load %arg16[%swap3A_227, %swap3A_228, %swap3A_229] : memref<1x3072x128xf32, #tpu.memory_space<vmem>>, vector<1x192x128xf32>
    %swap3A_231 = vector.shape_cast %swap3A_230 : vector<1x192x128xf32> to vector<192x128xf32>
    %swap3A_232 = vector.shape_cast %broadcast_in_dim3A_226 : vector<192x128xf32> to vector<1x192x128xf32>
    tpu.vector_store %arg16[%swap3A_227, %swap3A_228, %swap3A_229], %swap3A_232 {strides = array<i32>} : memref<1x3072x128xf32, #tpu.memory_space<vmem>>, vector<1x192x128xf32>,
    %swap3A_233 = arith.constant 0 : index
    %swap3A_234 = arith.constant 0 : index
    %swap3A_235 = arith.constant 0 : index
    %swap3A_236 = vector.load %arg17[%swap3A_233, %swap3A_234, %swap3A_235] : memref<1x3072x48xi32, #tpu.memory_space<vmem>>, vector<1x2880x48xi32>
    %swap3A_237 = vector.shape_cast %swap3A_236 : vector<1x2880x48xi32> to vector<2880x48xi32>
    %swap3A_238 = vector.shape_cast %select_n3A : vector<2880x48xi32> to vector<1x2880x48xi32>
    tpu.vector_store %arg17[%swap3A_233, %swap3A_234, %swap3A_235], %swap3A_238 {strides = array<i32>} : memref<1x3072x48xi32, #tpu.memory_space<vmem>>, vector<1x2880x48xi32>,
    %broadcast_in_dim3A_239 = arith.constant 0 : i32
    %broadcast_in_dim3A_240 = vector.broadcast %broadcast_in_dim3A_239 : i32 to vector<192x48xi32>
    %swap3A_241 = arith.constant 0 : index
    %swap3A_242 = arith.constant 2880 : index
    %swap3A_243 = arith.constant 0 : index
    %swap3A_244 = vector.load %arg17[%swap3A_241, %swap3A_242, %swap3A_243] : memref<1x3072x48xi32, #tpu.memory_space<vmem>>, vector<1x192x48xi32>
    %swap3A_245 = vector.shape_cast %swap3A_244 : vector<1x192x48xi32> to vector<192x48xi32>
    %swap3A_246 = vector.shape_cast %broadcast_in_dim3A_240 : vector<192x48xi32> to vector<1x192x48xi32>
    tpu.vector_store %arg17[%swap3A_241, %swap3A_242, %swap3A_243], %swap3A_246 {strides = array<i32>} : memref<1x3072x48xi32, #tpu.memory_space<vmem>>, vector<1x192x48xi32>,
    return
  }
  func.func @transform_0(%arg0: i32) -> (i32, i32, i32) {
    %c0_i32 = arith.constant 0 : i32
    %c0_i32_0 = arith.constant 0 : i32
    %c0_i32_1 = arith.constant 0 : i32
    return %arg0, %c0_i32, %c0_i32_0 : i32, i32, i32
  }
  func.func @transform_1(%arg0: i32) -> (i32, i32, i32) {
    %c0_i32 = arith.constant 0 : i32
    %c0_i32_0 = arith.constant 0 : i32
    %c0_i32_1 = arith.constant 0 : i32
    return %arg0, %c0_i32, %c0_i32_0 : i32, i32, i32
  }
  func.func @transform_2(%arg0: i32) -> (i32, i32, i32) {
    %c0_i32 = arith.constant 0 : i32
    %c0_i32_0 = arith.constant 0 : i32
    %c0_i32_1 = arith.constant 0 : i32
    return %arg0, %c0_i32, %c0_i32_0 : i32, i32, i32
  }
  func.func @transform_3(%arg0: i32) -> (i32, i32) {
    %c0_i32 = arith.constant 0 : i32
    %c0_i32_0 = arith.constant 0 : i32
    %c0_i32_1 = arith.constant 0 : i32
    return %c0_i32, %c0_i32_0 : i32, i32
  }
  func.func @transform_4(%arg0: i32) -> (i32, i32) {
    %c0_i32 = arith.constant 0 : i32
    %c0_i32_0 = arith.constant 0 : i32
    %c0_i32_1 = arith.constant 0 : i32
    return %c0_i32, %c0_i32_0 : i32, i32
  }
  func.func @transform_5(%arg0: i32) -> (i32, i32) {
    %c0_i32 = arith.constant 0 : i32
    %c0_i32_0 = arith.constant 0 : i32
    %c0_i32_1 = arith.constant 0 : i32
    return %c0_i32, %c0_i32_0 : i32, i32
  }
  func.func @transform_6(%arg0: i32) -> (i32, i32) {
    %c0_i32 = arith.constant 0 : i32
    %c0_i32_0 = arith.constant 0 : i32
    %c0_i32_1 = arith.constant 0 : i32
    return %c0_i32, %c0_i32_0 : i32, i32
  }
  func.func @transform_7(%arg0: i32) -> (i32, i32) {
    %c0_i32 = arith.constant 0 : i32
    %c0_i32_0 = arith.constant 0 : i32
    %c0_i32_1 = arith.constant 0 : i32
    return %c0_i32, %c0_i32_0 : i32, i32
  }
  func.func @transform_8(%arg0: i32) -> (i32, i32, i32, i32) {
    %c0_i32 = arith.constant 0 : i32
    %c0_i32_0 = arith.constant 0 : i32
    %c0_i32_1 = arith.constant 0 : i32
    %c0_i32_2 = arith.constant 0 : i32
    %c0_i32_3 = arith.constant 0 : i32
    return %c0_i32, %c0_i32_0, %c0_i32_1, %c0_i32_2 : i32, i32, i32, i32
  }
  func.func @transform_9(%arg0: i32) -> (i32, i32) {
    %c0_i32 = arith.constant 0 : i32
    %c0_i32_0 = arith.constant 0 : i32
    %c0_i32_1 = arith.constant 0 : i32
    return %c0_i32, %c0_i32_0 : i32, i32
  }
  func.func @transform_10(%arg0: i32) -> (i32, i32) {
    %c0_i32 = arith.constant 0 : i32
    %c0_i32_0 = arith.constant 0 : i32
    %c0_i32_1 = arith.constant 0 : i32
    return %c0_i32, %c0_i32_0 : i32, i32
  }
  func.func @transform_11(%arg0: i32) -> (i32, i32) {
    %c0_i32 = arith.constant 0 : i32
    %c0_i32_0 = arith.constant 0 : i32
    %c0_i32_1 = arith.constant 0 : i32
    return %c0_i32, %c0_i32_0 : i32, i32
  }
  func.func @transform_12(%arg0: i32) -> (i32, i32) {
    %c0_i32 = arith.constant 0 : i32
    %c0_i32_0 = arith.constant 0 : i32
    %c0_i32_1 = arith.constant 0 : i32
    return %c0_i32, %c0_i32_0 : i32, i32
  }
  func.func @transform_13(%arg0: i32) -> (i32, i32) {
    %c0_i32 = arith.constant 0 : i32
    %c0_i32_0 = arith.constant 0 : i32
    %c0_i32_1 = arith.constant 0 : i32
    return %c0_i32, %c0_i32_0 : i32, i32
  }
  func.func @transform_14(%arg0: i32) -> (i32, i32) {
    %c0_i32 = arith.constant 0 : i32
    %c0_i32_0 = arith.constant 0 : i32
    %c0_i32_1 = arith.constant 0 : i32
    return %c0_i32, %c0_i32_0 : i32, i32
  }
  func.func @transform_15(%arg0: i32) -> (i32, i32, i32) {
    %c0_i32 = arith.constant 0 : i32
    %c0_i32_0 = arith.constant 0 : i32
    %c0_i32_1 = arith.constant 0 : i32
    return %arg0, %c0_i32, %c0_i32_0 : i32, i32, i32
  }
  func.func @transform_16(%arg0: i32) -> (i32, i32, i32) {
    %c0_i32 = arith.constant 0 : i32
    %c0_i32_0 = arith.constant 0 : i32
    %c0_i32_1 = arith.constant 0 : i32
    return %arg0, %c0_i32, %c0_i32_0 : i32, i32, i32
  }
}

module attributes {stable_mosaic.version = 14 : i64} {
  func.func @_bev_conv_kernel(%arg0: i32, %arg1: memref<1x4224x64xf32, #tpu.memory_space<vmem>>, %arg2: memref<4158x1xf32, #tpu.memory_space<vmem>>, %arg3: memref<3x3x64x64xf32, #tpu.memory_space<vmem>>, %arg4: memref<1x64xf32, #tpu.memory_space<vmem>>, %arg5: memref<1x64xf32, #tpu.memory_space<vmem>>, %arg6: memref<1x64xf32, #tpu.memory_space<vmem>>, %arg7: memref<3x3x64x64xf32, #tpu.memory_space<vmem>>, %arg8: memref<1x64xf32, #tpu.memory_space<vmem>>, %arg9: memref<1x64xf32, #tpu.memory_space<vmem>>, %arg10: memref<1x64xf32, #tpu.memory_space<vmem>>, %arg11: memref<1x4158x64xf32, #tpu.memory_space<vmem>>) attributes {dimension_semantics = [#tpu.dimension_semantics<arbitrary>], iteration_bounds = array<i64: 4>, scalar_prefetch = 0 : i64, scratch_operands = 0 : i64, tpu.core_type = #tpu.core_type<tc>, window_params = [{transform_indices = @transform_0, window_bounds = array<i64: 1, 4224, 64>}, {pipeline_mode = #tpu.pipeline_mode<synchronous>, transform_indices = @transform_1, window_bounds = array<i64: 4158, 1>}, {pipeline_mode = #tpu.pipeline_mode<synchronous>, transform_indices = @transform_2, window_bounds = array<i64: 3, 3, 64, 64>}, {pipeline_mode = #tpu.pipeline_mode<synchronous>, transform_indices = @transform_3, window_bounds = array<i64: 1, 64>}, {pipeline_mode = #tpu.pipeline_mode<synchronous>, transform_indices = @transform_4, window_bounds = array<i64: 1, 64>}, {pipeline_mode = #tpu.pipeline_mode<synchronous>, transform_indices = @transform_5, window_bounds = array<i64: 1, 64>}, {pipeline_mode = #tpu.pipeline_mode<synchronous>, transform_indices = @transform_6, window_bounds = array<i64: 3, 3, 64, 64>}, {pipeline_mode = #tpu.pipeline_mode<synchronous>, transform_indices = @transform_7, window_bounds = array<i64: 1, 64>}, {pipeline_mode = #tpu.pipeline_mode<synchronous>, transform_indices = @transform_8, window_bounds = array<i64: 1, 64>}, {pipeline_mode = #tpu.pipeline_mode<synchronous>, transform_indices = @transform_9, window_bounds = array<i64: 1, 64>}, {transform_indices = @transform_10, window_bounds = array<i64: 1, 4158, 64>}]} {
    %get3A = arith.constant 0 : index
    %get3A_0 = arith.constant 0 : index
    %get3A_1 = arith.constant 0 : index
    %get3A_2 = vector.load %arg1[%get3A, %get3A_0, %get3A_1] : memref<1x4224x64xf32, #tpu.memory_space<vmem>>, vector<1x4224x64xf32>
    %get3A_3 = vector.shape_cast %get3A_2 : vector<1x4224x64xf32> to vector<4224x64xf32>
    %slice3A = vector.extract_strided_slice %get3A_3 {offsets = [0, 0], sizes = [4158, 64], strides = [1, 1]} : vector<4224x64xf32> to vector<4158x64xf32>
    %broadcast_in_dim3A = arith.constant 0.000000e+00 : f32
    %broadcast_in_dim3A_4 = vector.broadcast %broadcast_in_dim3A : f32 to vector<48x64xf32>
    %concatenate3A = tpu.concatenate %broadcast_in_dim3A_4, %slice3A, %broadcast_in_dim3A_4 in 0 : vector<48x64xf32>, vector<4158x64xf32>, vector<48x64xf32> -> vector<4254x64xf32>
    %broadcast_in_dim3A_5 = arith.constant 0.000000e+00 : f32
    %broadcast_in_dim3A_6 = vector.broadcast %broadcast_in_dim3A_5 : f32 to vector<4158x64xf32>
    %slice3A_7 = vector.extract_strided_slice %concatenate3A {offsets = [5, 0], sizes = [4158, 64], strides = [1, 1]} : vector<4254x64xf32> to vector<4158x64xf32>
    %get3A_8 = arith.constant 0 : index
    %get3A_9 = arith.constant 0 : index
    %get3A_10 = arith.constant 0 : index
    %get3A_11 = arith.constant 0 : index
    %get3A_12 = vector.load %arg3[%get3A_8, %get3A_9, %get3A_10, %get3A_11] : memref<3x3x64x64xf32, #tpu.memory_space<vmem>>, vector<1x1x64x64xf32>
    %get3A_13 = vector.shape_cast %get3A_12 : vector<1x1x64x64xf32> to vector<64x64xf32>
    %dot_general3A = arith.constant dense<0.000000e+00> : vector<4158x64xf32>
    %dot_general3A_14 = tpu.matmul %slice3A_7, %get3A_13, %dot_general3A {dimension_numbers = #tpu.dot_dimension_numbers<[1], [0], [0], [1], [0, 0, 1, 1], [], []>, transpose_lhs_hint = false} : vector<4158x64xf32>, vector<64x64xf32>, vector<4158x64xf32> -> vector<4158x64xf32>
    %add3A = arith.addf %broadcast_in_dim3A_6, %dot_general3A_14 : vector<4158x64xf32>
    %slice3A_15 = vector.extract_strided_slice %concatenate3A {offsets = [6, 0], sizes = [4158, 64], strides = [1, 1]} : vector<4254x64xf32> to vector<4158x64xf32>
    %get3A_16 = arith.constant 0 : index
    %get3A_17 = arith.constant 1 : index
    %get3A_18 = arith.constant 0 : index
    %get3A_19 = arith.constant 0 : index
    %get3A_20 = vector.load %arg3[%get3A_16, %get3A_17, %get3A_18, %get3A_19] : memref<3x3x64x64xf32, #tpu.memory_space<vmem>>, vector<1x1x64x64xf32>
    %get3A_21 = vector.shape_cast %get3A_20 : vector<1x1x64x64xf32> to vector<64x64xf32>
    %dot_general3A_22 = arith.constant dense<0.000000e+00> : vector<4158x64xf32>
    %dot_general3A_23 = tpu.matmul %slice3A_15, %get3A_21, %dot_general3A_22 {dimension_numbers = #tpu.dot_dimension_numbers<[1], [0], [0], [1], [0, 0, 1, 1], [], []>, transpose_lhs_hint = false} : vector<4158x64xf32>, vector<64x64xf32>, vector<4158x64xf32> -> vector<4158x64xf32>
    %add3A_24 = arith.addf %add3A, %dot_general3A_23 : vector<4158x64xf32>
    %slice3A_25 = vector.extract_strided_slice %concatenate3A {offsets = [7, 0], sizes = [4158, 64], strides = [1, 1]} : vector<4254x64xf32> to vector<4158x64xf32>
    %get3A_26 = arith.constant 0 : index
    %get3A_27 = arith.constant 2 : index
    %get3A_28 = arith.constant 0 : index
    %get3A_29 = arith.constant 0 : index
    %get3A_30 = vector.load %arg3[%get3A_26, %get3A_27, %get3A_28, %get3A_29] : memref<3x3x64x64xf32, #tpu.memory_space<vmem>>, vector<1x1x64x64xf32>
    %get3A_31 = vector.shape_cast %get3A_30 : vector<1x1x64x64xf32> to vector<64x64xf32>
    %dot_general3A_32 = arith.constant dense<0.000000e+00> : vector<4158x64xf32>
    %dot_general3A_33 = tpu.matmul %slice3A_25, %get3A_31, %dot_general3A_32 {dimension_numbers = #tpu.dot_dimension_numbers<[1], [0], [0], [1], [0, 0, 1, 1], [], []>, transpose_lhs_hint = false} : vector<4158x64xf32>, vector<64x64xf32>, vector<4158x64xf32> -> vector<4158x64xf32>
    %add3A_34 = arith.addf %add3A_24, %dot_general3A_33 : vector<4158x64xf32>
    %slice3A_35 = vector.extract_strided_slice %concatenate3A {offsets = [47, 0], sizes = [4158, 64], strides = [1, 1]} : vector<4254x64xf32> to vector<4158x64xf32>
    %get3A_36 = arith.constant 1 : index
    %get3A_37 = arith.constant 0 : index
    %get3A_38 = arith.constant 0 : index
    %get3A_39 = arith.constant 0 : index
    %get3A_40 = vector.load %arg3[%get3A_36, %get3A_37, %get3A_38, %get3A_39] : memref<3x3x64x64xf32, #tpu.memory_space<vmem>>, vector<1x1x64x64xf32>
    %get3A_41 = vector.shape_cast %get3A_40 : vector<1x1x64x64xf32> to vector<64x64xf32>
    %dot_general3A_42 = arith.constant dense<0.000000e+00> : vector<4158x64xf32>
    %dot_general3A_43 = tpu.matmul %slice3A_35, %get3A_41, %dot_general3A_42 {dimension_numbers = #tpu.dot_dimension_numbers<[1], [0], [0], [1], [0, 0, 1, 1], [], []>, transpose_lhs_hint = false} : vector<4158x64xf32>, vector<64x64xf32>, vector<4158x64xf32> -> vector<4158x64xf32>
    %add3A_44 = arith.addf %add3A_34, %dot_general3A_43 : vector<4158x64xf32>
    %slice3A_45 = vector.extract_strided_slice %concatenate3A {offsets = [48, 0], sizes = [4158, 64], strides = [1, 1]} : vector<4254x64xf32> to vector<4158x64xf32>
    %get3A_46 = arith.constant 1 : index
    %get3A_47 = arith.constant 1 : index
    %get3A_48 = arith.constant 0 : index
    %get3A_49 = arith.constant 0 : index
    %get3A_50 = vector.load %arg3[%get3A_46, %get3A_47, %get3A_48, %get3A_49] : memref<3x3x64x64xf32, #tpu.memory_space<vmem>>, vector<1x1x64x64xf32>
    %get3A_51 = vector.shape_cast %get3A_50 : vector<1x1x64x64xf32> to vector<64x64xf32>
    %dot_general3A_52 = arith.constant dense<0.000000e+00> : vector<4158x64xf32>
    %dot_general3A_53 = tpu.matmul %slice3A_45, %get3A_51, %dot_general3A_52 {dimension_numbers = #tpu.dot_dimension_numbers<[1], [0], [0], [1], [0, 0, 1, 1], [], []>, transpose_lhs_hint = false} : vector<4158x64xf32>, vector<64x64xf32>, vector<4158x64xf32> -> vector<4158x64xf32>
    %add3A_54 = arith.addf %add3A_44, %dot_general3A_53 : vector<4158x64xf32>
    %slice3A_55 = vector.extract_strided_slice %concatenate3A {offsets = [49, 0], sizes = [4158, 64], strides = [1, 1]} : vector<4254x64xf32> to vector<4158x64xf32>
    %get3A_56 = arith.constant 1 : index
    %get3A_57 = arith.constant 2 : index
    %get3A_58 = arith.constant 0 : index
    %get3A_59 = arith.constant 0 : index
    %get3A_60 = vector.load %arg3[%get3A_56, %get3A_57, %get3A_58, %get3A_59] : memref<3x3x64x64xf32, #tpu.memory_space<vmem>>, vector<1x1x64x64xf32>
    %get3A_61 = vector.shape_cast %get3A_60 : vector<1x1x64x64xf32> to vector<64x64xf32>
    %dot_general3A_62 = arith.constant dense<0.000000e+00> : vector<4158x64xf32>
    %dot_general3A_63 = tpu.matmul %slice3A_55, %get3A_61, %dot_general3A_62 {dimension_numbers = #tpu.dot_dimension_numbers<[1], [0], [0], [1], [0, 0, 1, 1], [], []>, transpose_lhs_hint = false} : vector<4158x64xf32>, vector<64x64xf32>, vector<4158x64xf32> -> vector<4158x64xf32>
    %add3A_64 = arith.addf %add3A_54, %dot_general3A_63 : vector<4158x64xf32>
    %slice3A_65 = vector.extract_strided_slice %concatenate3A {offsets = [89, 0], sizes = [4158, 64], strides = [1, 1]} : vector<4254x64xf32> to vector<4158x64xf32>
    %get3A_66 = arith.constant 2 : index
    %get3A_67 = arith.constant 0 : index
    %get3A_68 = arith.constant 0 : index
    %get3A_69 = arith.constant 0 : index
    %get3A_70 = vector.load %arg3[%get3A_66, %get3A_67, %get3A_68, %get3A_69] : memref<3x3x64x64xf32, #tpu.memory_space<vmem>>, vector<1x1x64x64xf32>
    %get3A_71 = vector.shape_cast %get3A_70 : vector<1x1x64x64xf32> to vector<64x64xf32>
    %dot_general3A_72 = arith.constant dense<0.000000e+00> : vector<4158x64xf32>
    %dot_general3A_73 = tpu.matmul %slice3A_65, %get3A_71, %dot_general3A_72 {dimension_numbers = #tpu.dot_dimension_numbers<[1], [0], [0], [1], [0, 0, 1, 1], [], []>, transpose_lhs_hint = false} : vector<4158x64xf32>, vector<64x64xf32>, vector<4158x64xf32> -> vector<4158x64xf32>
    %add3A_74 = arith.addf %add3A_64, %dot_general3A_73 : vector<4158x64xf32>
    %slice3A_75 = vector.extract_strided_slice %concatenate3A {offsets = [90, 0], sizes = [4158, 64], strides = [1, 1]} : vector<4254x64xf32> to vector<4158x64xf32>
    %get3A_76 = arith.constant 2 : index
    %get3A_77 = arith.constant 1 : index
    %get3A_78 = arith.constant 0 : index
    %get3A_79 = arith.constant 0 : index
    %get3A_80 = vector.load %arg3[%get3A_76, %get3A_77, %get3A_78, %get3A_79] : memref<3x3x64x64xf32, #tpu.memory_space<vmem>>, vector<1x1x64x64xf32>
    %get3A_81 = vector.shape_cast %get3A_80 : vector<1x1x64x64xf32> to vector<64x64xf32>
    %dot_general3A_82 = arith.constant dense<0.000000e+00> : vector<4158x64xf32>
    %dot_general3A_83 = tpu.matmul %slice3A_75, %get3A_81, %dot_general3A_82 {dimension_numbers = #tpu.dot_dimension_numbers<[1], [0], [0], [1], [0, 0, 1, 1], [], []>, transpose_lhs_hint = false} : vector<4158x64xf32>, vector<64x64xf32>, vector<4158x64xf32> -> vector<4158x64xf32>
    %add3A_84 = arith.addf %add3A_74, %dot_general3A_83 : vector<4158x64xf32>
    %slice3A_85 = vector.extract_strided_slice %concatenate3A {offsets = [91, 0], sizes = [4158, 64], strides = [1, 1]} : vector<4254x64xf32> to vector<4158x64xf32>
    %get3A_86 = arith.constant 2 : index
    %get3A_87 = arith.constant 2 : index
    %get3A_88 = arith.constant 0 : index
    %get3A_89 = arith.constant 0 : index
    %get3A_90 = vector.load %arg3[%get3A_86, %get3A_87, %get3A_88, %get3A_89] : memref<3x3x64x64xf32, #tpu.memory_space<vmem>>, vector<1x1x64x64xf32>
    %get3A_91 = vector.shape_cast %get3A_90 : vector<1x1x64x64xf32> to vector<64x64xf32>
    %dot_general3A_92 = arith.constant dense<0.000000e+00> : vector<4158x64xf32>
    %dot_general3A_93 = tpu.matmul %slice3A_85, %get3A_91, %dot_general3A_92 {dimension_numbers = #tpu.dot_dimension_numbers<[1], [0], [0], [1], [0, 0, 1, 1], [], []>, transpose_lhs_hint = false} : vector<4158x64xf32>, vector<64x64xf32>, vector<4158x64xf32> -> vector<4158x64xf32>
    %add3A_94 = arith.addf %add3A_84, %dot_general3A_93 : vector<4158x64xf32>
    %get3A_95 = arith.constant 0 : index
    %get3A_96 = arith.constant 0 : index
    %get3A_97 = vector.load %arg4[%get3A_95, %get3A_96] : memref<1x64xf32, #tpu.memory_space<vmem>>, vector<1x64xf32>
    %add3A_98 = vector.broadcast %get3A_97 : vector<1x64xf32> to vector<4158x64xf32>
    %add3A_99 = arith.addf %add3A_94, %add3A_98 : vector<4158x64xf32>
    %get3A_100 = arith.constant 0 : index
    %get3A_101 = arith.constant 0 : index
    %get3A_102 = vector.load %arg5[%get3A_100, %get3A_101] : memref<1x64xf32, #tpu.memory_space<vmem>>, vector<1x64xf32>
    %mul3A = vector.broadcast %get3A_102 : vector<1x64xf32> to vector<4158x64xf32>
    %mul3A_103 = arith.mulf %add3A_99, %mul3A : vector<4158x64xf32>
    %get3A_104 = arith.constant 0 : index
    %get3A_105 = arith.constant 0 : index
    %get3A_106 = vector.load %arg6[%get3A_104, %get3A_105] : memref<1x64xf32, #tpu.memory_space<vmem>>, vector<1x64xf32>
    %add3A_107 = vector.broadcast %get3A_106 : vector<1x64xf32> to vector<4158x64xf32>
    %add3A_108 = arith.addf %mul3A_103, %add3A_107 : vector<4158x64xf32>
    %max3A = arith.constant 0.000000e+00 : f32
    %max3A_109 = vector.broadcast %max3A : f32 to vector<4158x64xf32>
    %max3A_110 = arith.maximumf %add3A_108, %max3A_109 : vector<4158x64xf32>
    %get3A_111 = arith.constant 0 : index
    %get3A_112 = arith.constant 0 : index
    %get3A_113 = vector.load %arg2[%get3A_111, %get3A_112] : memref<4158x1xf32, #tpu.memory_space<vmem>>, vector<4158x1xf32>
    %mul3A_114 = vector.broadcast %get3A_113 : vector<4158x1xf32> to vector<4158x64xf32>
    %mul3A_115 = arith.mulf %max3A_110, %mul3A_114 : vector<4158x64xf32>
    %concatenate3A_116 = tpu.concatenate %broadcast_in_dim3A_4, %mul3A_115, %broadcast_in_dim3A_4 in 0 : vector<48x64xf32>, vector<4158x64xf32>, vector<48x64xf32> -> vector<4254x64xf32>
    %broadcast_in_dim3A_117 = arith.constant 0.000000e+00 : f32
    %broadcast_in_dim3A_118 = vector.broadcast %broadcast_in_dim3A_117 : f32 to vector<4158x64xf32>
    %slice3A_119 = vector.extract_strided_slice %concatenate3A_116 {offsets = [5, 0], sizes = [4158, 64], strides = [1, 1]} : vector<4254x64xf32> to vector<4158x64xf32>
    %get3A_120 = arith.constant 0 : index
    %get3A_121 = arith.constant 0 : index
    %get3A_122 = arith.constant 0 : index
    %get3A_123 = arith.constant 0 : index
    %get3A_124 = vector.load %arg7[%get3A_120, %get3A_121, %get3A_122, %get3A_123] : memref<3x3x64x64xf32, #tpu.memory_space<vmem>>, vector<1x1x64x64xf32>
    %get3A_125 = vector.shape_cast %get3A_124 : vector<1x1x64x64xf32> to vector<64x64xf32>
    %dot_general3A_126 = arith.constant dense<0.000000e+00> : vector<4158x64xf32>
    %dot_general3A_127 = tpu.matmul %slice3A_119, %get3A_125, %dot_general3A_126 {dimension_numbers = #tpu.dot_dimension_numbers<[1], [0], [0], [1], [0, 0, 1, 1], [], []>, transpose_lhs_hint = false} : vector<4158x64xf32>, vector<64x64xf32>, vector<4158x64xf32> -> vector<4158x64xf32>
    %add3A_128 = arith.addf %broadcast_in_dim3A_118, %dot_general3A_127 : vector<4158x64xf32>
    %slice3A_129 = vector.extract_strided_slice %concatenate3A_116 {offsets = [6, 0], sizes = [4158, 64], strides = [1, 1]} : vector<4254x64xf32> to vector<4158x64xf32>
    %get3A_130 = arith.constant 0 : index
    %get3A_131 = arith.constant 1 : index
    %get3A_132 = arith.constant 0 : index
    %get3A_133 = arith.constant 0 : index
    %get3A_134 = vector.load %arg7[%get3A_130, %get3A_131, %get3A_132, %get3A_133] : memref<3x3x64x64xf32, #tpu.memory_space<vmem>>, vector<1x1x64x64xf32>
    %get3A_135 = vector.shape_cast %get3A_134 : vector<1x1x64x64xf32> to vector<64x64xf32>
    %dot_general3A_136 = arith.constant dense<0.000000e+00> : vector<4158x64xf32>
    %dot_general3A_137 = tpu.matmul %slice3A_129, %get3A_135, %dot_general3A_136 {dimension_numbers = #tpu.dot_dimension_numbers<[1], [0], [0], [1], [0, 0, 1, 1], [], []>, transpose_lhs_hint = false} : vector<4158x64xf32>, vector<64x64xf32>, vector<4158x64xf32> -> vector<4158x64xf32>
    %add3A_138 = arith.addf %add3A_128, %dot_general3A_137 : vector<4158x64xf32>
    %slice3A_139 = vector.extract_strided_slice %concatenate3A_116 {offsets = [7, 0], sizes = [4158, 64], strides = [1, 1]} : vector<4254x64xf32> to vector<4158x64xf32>
    %get3A_140 = arith.constant 0 : index
    %get3A_141 = arith.constant 2 : index
    %get3A_142 = arith.constant 0 : index
    %get3A_143 = arith.constant 0 : index
    %get3A_144 = vector.load %arg7[%get3A_140, %get3A_141, %get3A_142, %get3A_143] : memref<3x3x64x64xf32, #tpu.memory_space<vmem>>, vector<1x1x64x64xf32>
    %get3A_145 = vector.shape_cast %get3A_144 : vector<1x1x64x64xf32> to vector<64x64xf32>
    %dot_general3A_146 = arith.constant dense<0.000000e+00> : vector<4158x64xf32>
    %dot_general3A_147 = tpu.matmul %slice3A_139, %get3A_145, %dot_general3A_146 {dimension_numbers = #tpu.dot_dimension_numbers<[1], [0], [0], [1], [0, 0, 1, 1], [], []>, transpose_lhs_hint = false} : vector<4158x64xf32>, vector<64x64xf32>, vector<4158x64xf32> -> vector<4158x64xf32>
    %add3A_148 = arith.addf %add3A_138, %dot_general3A_147 : vector<4158x64xf32>
    %slice3A_149 = vector.extract_strided_slice %concatenate3A_116 {offsets = [47, 0], sizes = [4158, 64], strides = [1, 1]} : vector<4254x64xf32> to vector<4158x64xf32>
    %get3A_150 = arith.constant 1 : index
    %get3A_151 = arith.constant 0 : index
    %get3A_152 = arith.constant 0 : index
    %get3A_153 = arith.constant 0 : index
    %get3A_154 = vector.load %arg7[%get3A_150, %get3A_151, %get3A_152, %get3A_153] : memref<3x3x64x64xf32, #tpu.memory_space<vmem>>, vector<1x1x64x64xf32>
    %get3A_155 = vector.shape_cast %get3A_154 : vector<1x1x64x64xf32> to vector<64x64xf32>
    %dot_general3A_156 = arith.constant dense<0.000000e+00> : vector<4158x64xf32>
    %dot_general3A_157 = tpu.matmul %slice3A_149, %get3A_155, %dot_general3A_156 {dimension_numbers = #tpu.dot_dimension_numbers<[1], [0], [0], [1], [0, 0, 1, 1], [], []>, transpose_lhs_hint = false} : vector<4158x64xf32>, vector<64x64xf32>, vector<4158x64xf32> -> vector<4158x64xf32>
    %add3A_158 = arith.addf %add3A_148, %dot_general3A_157 : vector<4158x64xf32>
    %slice3A_159 = vector.extract_strided_slice %concatenate3A_116 {offsets = [48, 0], sizes = [4158, 64], strides = [1, 1]} : vector<4254x64xf32> to vector<4158x64xf32>
    %get3A_160 = arith.constant 1 : index
    %get3A_161 = arith.constant 1 : index
    %get3A_162 = arith.constant 0 : index
    %get3A_163 = arith.constant 0 : index
    %get3A_164 = vector.load %arg7[%get3A_160, %get3A_161, %get3A_162, %get3A_163] : memref<3x3x64x64xf32, #tpu.memory_space<vmem>>, vector<1x1x64x64xf32>
    %get3A_165 = vector.shape_cast %get3A_164 : vector<1x1x64x64xf32> to vector<64x64xf32>
    %dot_general3A_166 = arith.constant dense<0.000000e+00> : vector<4158x64xf32>
    %dot_general3A_167 = tpu.matmul %slice3A_159, %get3A_165, %dot_general3A_166 {dimension_numbers = #tpu.dot_dimension_numbers<[1], [0], [0], [1], [0, 0, 1, 1], [], []>, transpose_lhs_hint = false} : vector<4158x64xf32>, vector<64x64xf32>, vector<4158x64xf32> -> vector<4158x64xf32>
    %add3A_168 = arith.addf %add3A_158, %dot_general3A_167 : vector<4158x64xf32>
    %slice3A_169 = vector.extract_strided_slice %concatenate3A_116 {offsets = [49, 0], sizes = [4158, 64], strides = [1, 1]} : vector<4254x64xf32> to vector<4158x64xf32>
    %get3A_170 = arith.constant 1 : index
    %get3A_171 = arith.constant 2 : index
    %get3A_172 = arith.constant 0 : index
    %get3A_173 = arith.constant 0 : index
    %get3A_174 = vector.load %arg7[%get3A_170, %get3A_171, %get3A_172, %get3A_173] : memref<3x3x64x64xf32, #tpu.memory_space<vmem>>, vector<1x1x64x64xf32>
    %get3A_175 = vector.shape_cast %get3A_174 : vector<1x1x64x64xf32> to vector<64x64xf32>
    %dot_general3A_176 = arith.constant dense<0.000000e+00> : vector<4158x64xf32>
    %dot_general3A_177 = tpu.matmul %slice3A_169, %get3A_175, %dot_general3A_176 {dimension_numbers = #tpu.dot_dimension_numbers<[1], [0], [0], [1], [0, 0, 1, 1], [], []>, transpose_lhs_hint = false} : vector<4158x64xf32>, vector<64x64xf32>, vector<4158x64xf32> -> vector<4158x64xf32>
    %add3A_178 = arith.addf %add3A_168, %dot_general3A_177 : vector<4158x64xf32>
    %slice3A_179 = vector.extract_strided_slice %concatenate3A_116 {offsets = [89, 0], sizes = [4158, 64], strides = [1, 1]} : vector<4254x64xf32> to vector<4158x64xf32>
    %get3A_180 = arith.constant 2 : index
    %get3A_181 = arith.constant 0 : index
    %get3A_182 = arith.constant 0 : index
    %get3A_183 = arith.constant 0 : index
    %get3A_184 = vector.load %arg7[%get3A_180, %get3A_181, %get3A_182, %get3A_183] : memref<3x3x64x64xf32, #tpu.memory_space<vmem>>, vector<1x1x64x64xf32>
    %get3A_185 = vector.shape_cast %get3A_184 : vector<1x1x64x64xf32> to vector<64x64xf32>
    %dot_general3A_186 = arith.constant dense<0.000000e+00> : vector<4158x64xf32>
    %dot_general3A_187 = tpu.matmul %slice3A_179, %get3A_185, %dot_general3A_186 {dimension_numbers = #tpu.dot_dimension_numbers<[1], [0], [0], [1], [0, 0, 1, 1], [], []>, transpose_lhs_hint = false} : vector<4158x64xf32>, vector<64x64xf32>, vector<4158x64xf32> -> vector<4158x64xf32>
    %add3A_188 = arith.addf %add3A_178, %dot_general3A_187 : vector<4158x64xf32>
    %slice3A_189 = vector.extract_strided_slice %concatenate3A_116 {offsets = [90, 0], sizes = [4158, 64], strides = [1, 1]} : vector<4254x64xf32> to vector<4158x64xf32>
    %get3A_190 = arith.constant 2 : index
    %get3A_191 = arith.constant 1 : index
    %get3A_192 = arith.constant 0 : index
    %get3A_193 = arith.constant 0 : index
    %get3A_194 = vector.load %arg7[%get3A_190, %get3A_191, %get3A_192, %get3A_193] : memref<3x3x64x64xf32, #tpu.memory_space<vmem>>, vector<1x1x64x64xf32>
    %get3A_195 = vector.shape_cast %get3A_194 : vector<1x1x64x64xf32> to vector<64x64xf32>
    %dot_general3A_196 = arith.constant dense<0.000000e+00> : vector<4158x64xf32>
    %dot_general3A_197 = tpu.matmul %slice3A_189, %get3A_195, %dot_general3A_196 {dimension_numbers = #tpu.dot_dimension_numbers<[1], [0], [0], [1], [0, 0, 1, 1], [], []>, transpose_lhs_hint = false} : vector<4158x64xf32>, vector<64x64xf32>, vector<4158x64xf32> -> vector<4158x64xf32>
    %add3A_198 = arith.addf %add3A_188, %dot_general3A_197 : vector<4158x64xf32>
    %slice3A_199 = vector.extract_strided_slice %concatenate3A_116 {offsets = [91, 0], sizes = [4158, 64], strides = [1, 1]} : vector<4254x64xf32> to vector<4158x64xf32>
    %get3A_200 = arith.constant 2 : index
    %get3A_201 = arith.constant 2 : index
    %get3A_202 = arith.constant 0 : index
    %get3A_203 = arith.constant 0 : index
    %get3A_204 = vector.load %arg7[%get3A_200, %get3A_201, %get3A_202, %get3A_203] : memref<3x3x64x64xf32, #tpu.memory_space<vmem>>, vector<1x1x64x64xf32>
    %get3A_205 = vector.shape_cast %get3A_204 : vector<1x1x64x64xf32> to vector<64x64xf32>
    %dot_general3A_206 = arith.constant dense<0.000000e+00> : vector<4158x64xf32>
    %dot_general3A_207 = tpu.matmul %slice3A_199, %get3A_205, %dot_general3A_206 {dimension_numbers = #tpu.dot_dimension_numbers<[1], [0], [0], [1], [0, 0, 1, 1], [], []>, transpose_lhs_hint = false} : vector<4158x64xf32>, vector<64x64xf32>, vector<4158x64xf32> -> vector<4158x64xf32>
    %add3A_208 = arith.addf %add3A_198, %dot_general3A_207 : vector<4158x64xf32>
    %get3A_209 = arith.constant 0 : index
    %get3A_210 = arith.constant 0 : index
    %get3A_211 = vector.load %arg8[%get3A_209, %get3A_210] : memref<1x64xf32, #tpu.memory_space<vmem>>, vector<1x64xf32>
    %add3A_212 = vector.broadcast %get3A_211 : vector<1x64xf32> to vector<4158x64xf32>
    %add3A_213 = arith.addf %add3A_208, %add3A_212 : vector<4158x64xf32>
    %get3A_214 = arith.constant 0 : index
    %get3A_215 = arith.constant 0 : index
    %get3A_216 = vector.load %arg9[%get3A_214, %get3A_215] : memref<1x64xf32, #tpu.memory_space<vmem>>, vector<1x64xf32>
    %mul3A_217 = vector.broadcast %get3A_216 : vector<1x64xf32> to vector<4158x64xf32>
    %mul3A_218 = arith.mulf %add3A_213, %mul3A_217 : vector<4158x64xf32>
    %get3A_219 = arith.constant 0 : index
    %get3A_220 = arith.constant 0 : index
    %get3A_221 = vector.load %arg10[%get3A_219, %get3A_220] : memref<1x64xf32, #tpu.memory_space<vmem>>, vector<1x64xf32>
    %add3A_222 = vector.broadcast %get3A_221 : vector<1x64xf32> to vector<4158x64xf32>
    %add3A_223 = arith.addf %mul3A_218, %add3A_222 : vector<4158x64xf32>
    %max3A_224 = arith.constant 0.000000e+00 : f32
    %max3A_225 = vector.broadcast %max3A_224 : f32 to vector<4158x64xf32>
    %max3A_226 = arith.maximumf %add3A_223, %max3A_225 : vector<4158x64xf32>
    %swap3A = arith.constant 0 : index
    %swap3A_227 = arith.constant 0 : index
    %swap3A_228 = arith.constant 0 : index
    %swap3A_229 = vector.load %arg11[%swap3A, %swap3A_227, %swap3A_228] : memref<1x4158x64xf32, #tpu.memory_space<vmem>>, vector<1x4158x64xf32>
    %swap3A_230 = vector.shape_cast %swap3A_229 : vector<1x4158x64xf32> to vector<4158x64xf32>
    %swap3A_231 = vector.shape_cast %max3A_226 : vector<4158x64xf32> to vector<1x4158x64xf32>
    tpu.vector_store %arg11[%swap3A, %swap3A_227, %swap3A_228], %swap3A_231 {strides = array<i32>} : memref<1x4158x64xf32, #tpu.memory_space<vmem>>, vector<1x4158x64xf32>,
    return
  }
  func.func @transform_0(%arg0: i32) -> (i32, i32, i32) {
    %c0_i32 = arith.constant 0 : i32
    %c0_i32_0 = arith.constant 0 : i32
    %c0_i32_1 = arith.constant 0 : i32
    return %arg0, %c0_i32, %c0_i32_0 : i32, i32, i32
  }
  func.func @transform_1(%arg0: i32) -> (i32, i32) {
    %c0_i32 = arith.constant 0 : i32
    %c0_i32_0 = arith.constant 0 : i32
    %c0_i32_1 = arith.constant 0 : i32
    return %c0_i32, %c0_i32_0 : i32, i32
  }
  func.func @transform_2(%arg0: i32) -> (i32, i32, i32, i32) {
    %c0_i32 = arith.constant 0 : i32
    %c0_i32_0 = arith.constant 0 : i32
    %c0_i32_1 = arith.constant 0 : i32
    %c0_i32_2 = arith.constant 0 : i32
    %c0_i32_3 = arith.constant 0 : i32
    return %c0_i32, %c0_i32_0, %c0_i32_1, %c0_i32_2 : i32, i32, i32, i32
  }
  func.func @transform_3(%arg0: i32) -> (i32, i32) {
    %c0_i32 = arith.constant 0 : i32
    %c0_i32_0 = arith.constant 0 : i32
    %c0_i32_1 = arith.constant 0 : i32
    return %c0_i32, %c0_i32_0 : i32, i32
  }
  func.func @transform_4(%arg0: i32) -> (i32, i32) {
    %c0_i32 = arith.constant 0 : i32
    %c0_i32_0 = arith.constant 0 : i32
    %c0_i32_1 = arith.constant 0 : i32
    return %c0_i32, %c0_i32_0 : i32, i32
  }
  func.func @transform_5(%arg0: i32) -> (i32, i32) {
    %c0_i32 = arith.constant 0 : i32
    %c0_i32_0 = arith.constant 0 : i32
    %c0_i32_1 = arith.constant 0 : i32
    return %c0_i32, %c0_i32_0 : i32, i32
  }
  func.func @transform_6(%arg0: i32) -> (i32, i32, i32, i32) {
    %c0_i32 = arith.constant 0 : i32
    %c0_i32_0 = arith.constant 0 : i32
    %c0_i32_1 = arith.constant 0 : i32
    %c0_i32_2 = arith.constant 0 : i32
    %c0_i32_3 = arith.constant 0 : i32
    return %c0_i32, %c0_i32_0, %c0_i32_1, %c0_i32_2 : i32, i32, i32, i32
  }
  func.func @transform_7(%arg0: i32) -> (i32, i32) {
    %c0_i32 = arith.constant 0 : i32
    %c0_i32_0 = arith.constant 0 : i32
    %c0_i32_1 = arith.constant 0 : i32
    return %c0_i32, %c0_i32_0 : i32, i32
  }
  func.func @transform_8(%arg0: i32) -> (i32, i32) {
    %c0_i32 = arith.constant 0 : i32
    %c0_i32_0 = arith.constant 0 : i32
    %c0_i32_1 = arith.constant 0 : i32
    return %c0_i32, %c0_i32_0 : i32, i32
  }
  func.func @transform_9(%arg0: i32) -> (i32, i32) {
    %c0_i32 = arith.constant 0 : i32
    %c0_i32_0 = arith.constant 0 : i32
    %c0_i32_1 = arith.constant 0 : i32
    return %c0_i32, %c0_i32_0 : i32, i32
  }
  func.func @transform_10(%arg0: i32) -> (i32, i32, i32) {
    %c0_i32 = arith.constant 0 : i32
    %c0_i32_0 = arith.constant 0 : i32
    %c0_i32_1 = arith.constant 0 : i32
    return %arg0, %c0_i32, %c0_i32_0 : i32, i32, i32
  }
}

</mosaic_0001>

<sc_bundles>
// kernel: scatter_offload_async_start
scs
__scs_entry_jumppad:
0x0: {  	(pc) =	sbr.rel $0x88, $3  }
0x1: {  	(tag) =	ssettag $0x0;
	lr =	simm.s32 $0x1  }
0x2: {  	[smem:$0x3F8B] =	sst lr;
	_ =	strace $0xD0000000  }
0x3: {  	_ = 	snop  }
0x4: {  	_ = 	snop  }
0x5: {  	_ = 	snop  }
0x6: {  	_ = 	snop  }
0x7: {  	_ = 	snop  }
__scs_overlays_trampoline_lowered:
0x8: {  	[smem:$0x3F9A] =	sst s0  }
0x9: {  	[smem:$0x3F9B] =	sst s1  }
0xa: {  	[smem:$0x3F9C] =	sst s2  }
0xb: {  	[smem:$0x3F9D] =	sst s3  }
0xc: {  	[smem:$0x3F9E] =	sst s4  }
0xd: {  	[smem:$0x3F9F] =	sst s5  }
0xe: {  	[smem:$0x3FA0] =	sst s6  }
0xf: {  	[smem:$0x3FA1] =	sst s7  }
0x10: {  	[smem:$0x3FA2] =	sst s8  }
0x11: {  	[smem:$0x3FA3] =	sst s9;
	s0 =	simm.s32 @!p0 $0x0  }
0x12: {  	s1 =	sld [smem:$0x3F89];
	s0 =	simm.s32 @p0 $0x1  }
0x13: {  	[smem:$0x3FA4] =	sst s0;
	s0 =	simm.s32 @!p1 $0x0  }
0x14: {  	s2 =	sld [smem:$0x3F88];
	s0 =	simm.s32 @p1 $0x1  }
0x15: {  	[smem:$0x3FA5] =	sst s0;
	s0 =	simm.s32 @!p2 $0x0  }
0x16: {  	s3 =	sld [smem:$0x3FDB];
	s0 =	simm.s32 @p2 $0x1  }
0x17: {  	s4 =	simm.s32 $0x1BF5;
	[smem:$0x3FA7] =	sst s0  }
0x18: {  	s0 =	sld [smem:$0x3F8A];
	_ =	swait.ge [sflag:s4], $0x0  }
0x19: {  	s7 =	sld [smem:$0x3F8B]  }
0x1a: {  	s8 =	sadd.s32 $0xFFFFE003, lr  }
0x1b: {  	s9 =	sadd.s32 $0xFFFFFEF7, lr;
	s5 =	simm.s32 $0xFFFFFFFF;
	p2 =	slt.u32 s8, $0xFFFFF086  }
0x1c: {  	p1 =	slt.u32 s9, $0xF7A;
	s5 =	simm.s32 @!p2 $0x0  }
0x1d: {  	s5 =	simm.s32 @p1 $0x1;
	p0 =	seq.s32 s7, s2  }
0x1e: {  	s7 =	smul.u32 @!p0 $0xF7A, s2;
	p2 =	seq.s32 @!p0 s5, $0x0  }
0x1f: {  	s9 =	smul.u32 $0xF7A, s1;
	s8 =	simm.s32 @!p0 $0x1BF5;
	p2 =	por !p2, p0  }
0x20: {  	[sflag:s8] =	ssyncset.s32 @!p0 $0xFFFFF086;
	s6 =	sadd.s32 @!p0 s3, s7;
	s7 =	simm.s32 @!p0 $0x108  }
0x21: {  	s3 =	sadd.s32 s3, s9;
	s6 =	sadd.s32 @!p0 $0x88, s6;
	s7 =	simm.s32 @p2 $0x1082  }
0x22: {  	[simem:s7], [sflag:s8] =	dma.local @!p0 [hbm:s6], $0xF7A  }
0x23: {  	s9 =	sor.u32 $0xD0000000, s2;
	s6 =	simm.s32 $0x108;
	_ =	swait.ge @!p0 [sflag:s8], $0x0  }
0x24: {  	s3 =	sadd.s32 $0x88, s3;
	s6 =	simm.s32 @!p1 $0x1082;
	[sflag:s4] =	ssyncset.s32 $0xFFFFF086  }
0x25: {  	[simem:s6], [sflag:s4] =	dma.local [hbm:s3], $0xF7A  }
0x26: {  	[smem:$0x3F8B] =	sst s1;
	(tag) =	ssettag s2;
	_ =	strace s9  }
0x27: {  	s1 =	sld [smem:$0x3F9B]  }
0x28: {  	s2 =	sld [smem:$0x3F9C]  }
0x29: {  	s4 =	sld [smem:$0x3F9E]  }
0x2a: {  	p0 =	seq.s32 s5, $0x0;
	s5 =	sld [smem:$0x3F9F]  }
0x2b: {  	s6 =	sld [smem:$0x3FA0]  }
0x2c: {  	s7 =	sld [smem:$0x3FA1]  }
0x2d: {  	s3 =	simm.s32 $0x108;
	s8 =	sld [smem:$0x3FA2]  }
0x2e: {  	s3 =	simm.s32 @!p0 $0x1082;
	s9 =	sld [smem:$0x3FA3]  }
0x2f: {  	lr =	sadd.s32 s0, s3;
	s0 =	sld [smem:$0x3F9A]  }
0x30: {  	s3 =	sld [smem:$0x3F9D]  }
0x31: {  	[smem:$0x3FA6] =	sst s10  }
0x32: {  	s10 =	sld [smem:$0x3FA4];
	_ =	sdelay $0x3  }
0x33: {  	p0 =	seq.s32 s10, $0x1;
	s10 =	sld [smem:$0x3FA6];
	_ =	sdelay $0x3  }
0x34: {  	[smem:$0x3FA6] =	sst s10  }
0x35: {  	s10 =	sld [smem:$0x3FA5];
	_ =	sdelay $0x3  }
0x36: {  	p1 =	seq.s32 s10, $0x1;
	s10 =	sld [smem:$0x3FA6];
	_ =	sdelay $0x3  }
0x37: {  	[smem:$0x3FA6] =	sst s10  }
0x38: {  	s10 =	sld [smem:$0x3FA7]  }
0x39: {  	_ = 	snop;
	(pc) =	sbr.ind lr, $3  }
0x3a: {  	_ = 	snop  }
0x3b: {  	_ = 	snop  }
0x3c: {  	p2 =	seq.s32 s10, $0x1;
	s10 =	sld [smem:$0x3FA6]  }
0x3d: {  	_ =	shalt  }
0x3e: {  	_ =	shalt  }
0x3f: {  	_ =	shalt  }
0x40: {  	_ =	shalt  }
0x41: {  	_ =	shalt  }
0x42: {  	_ =	shalt  }
0x43: {  	_ =	shalt  }
0x44: {  	_ =	shalt  }
0x45: {  	_ =	shalt  }
0x46: {  	_ =	shalt  }
0x47: {  	_ =	shalt  }
0x48: {  	_ =	shalt  }
0x49: {  	_ =	shalt  }
0x4a: {  	_ =	shalt  }
0x4b: {  	_ =	shalt  }
0x4c: {  	_ =	shalt  }
0x4d: {  	_ =	shalt  }
0x4e: {  	_ =	shalt  }
0x4f: {  	_ =	shalt  }
0x50: {  	_ =	shalt  }
0x51: {  	_ =	shalt  }
0x52: {  	_ =	shalt  }
0x53: {  	_ =	shalt  }
0x54: {  	_ =	shalt  }
0x55: {  	_ =	shalt  }
0x56: {  	_ =	shalt  }
0x57: {  	_ =	shalt  }
0x58: {  	_ =	shalt  }
0x59: {  	_ =	shalt  }
0x5a: {  	_ =	shalt  }
0x5b: {  	_ =	shalt  }
0x5c: {  	_ =	shalt  }
0x5d: {  	_ =	shalt  }
0x5e: {  	_ =	shalt  }
0x5f: {  	_ =	shalt  }
0x60: {  	_ =	shalt  }
0x61: {  	_ =	shalt  }
0x62: {  	_ =	shalt  }
0x63: {  	_ =	shalt  }
0x64: {  	_ =	shalt  }
0x65: {  	_ =	shalt  }
0x66: {  	_ =	shalt  }
0x67: {  	_ =	shalt  }
0x68: {  	_ =	shalt  }
0x69: {  	_ =	shalt  }
0x6a: {  	_ =	shalt  }
0x6b: {  	_ =	shalt  }
0x6c: {  	_ =	shalt  }
0x6d: {  	_ =	shalt  }
0x6e: {  	_ =	shalt  }
0x6f: {  	_ =	shalt  }
0x70: {  	_ =	shalt  }
0x71: {  	_ =	shalt  }
0x72: {  	_ =	shalt  }
0x73: {  	_ =	shalt  }
0x74: {  	_ =	shalt  }
0x75: {  	_ =	shalt  }
0x76: {  	_ =	shalt  }
0x77: {  	_ =	shalt  }
0x78: {  	_ =	shalt  }
0x79: {  	_ =	shalt  }
0x7a: {  	_ =	shalt  }
0x7b: {  	_ =	shalt  }
0x7c: {  	_ =	shalt  }
0x7d: {  	_ =	shalt  }
0x7e: {  	_ =	shalt  }
0x7f: {  	_ =	shalt  }
0x80: {  	_ =	shalt  }
0x81: {  	_ =	shalt  }
0x82: {  	_ =	shalt  }
0x83: {  	_ =	shalt  }
0x84: {  	_ =	shalt  }
0x85: {  	_ =	shalt  }
0x86: {  	_ =	shalt  }
0x87: {  	_ =	shalt  }
.Lfunc_end0:
.L_simem_size_0:
called_computation_lowered:
.L_overlay_start_0:
0x88: {  	s2 =	sld [smem:$0x3FD9]  }
0x89: {  	s3 =	sld [smem:$0x3FFE];
	_ =	sdelay $0x1  }
0x8a: {  	s1 =	srdreg.scid  }
0x8b: {  	s0 =	sand.u32 $0x1, s1  }
0x8c: {  	s16 =	sshll.u32 s0, $0xA;
	s2 =	sadd.s32 s3, s2  }
0x8d: {  	s2 =	sadd.s32 s2, s16  }
0x8e: {  	[smem:$0x3FB2] =	sst s2  }
0x8f: {  	_ = 	snop  }
0x90: {  	s2 =	sld [smem:$0x3FD0];
	(tm) =	ssettm $0x1  }
0x91: {  	s17 =	sld [smem:$0x3FFB];
	_ =	sdelay $0x3  }
0x92: {  	_ =	strace s17  }
0x93: {  	s3 =	sld [smem:$0x3FFC];
	_ =	sdelay $0x3  }
0x94: {  	_ =	strace s3  }
0x95: {  	s3 =	sld [smem:$0x3FFD];
	_ =	sdelay $0x3  }
0x96: {  	_ =	strace s3  }
0x97: {  	_ =	strace $0x8FFFFFFF  }
0x98: {  	s18 =	sld [smem:$0x3FDB];
	_ =	sdelay $0x1  }
0x99: {  	s4 =	simm.s32 $_scs_section_size  }
0x9a: {  	s5 =	simm.s32 $_size__tile_overlayer_lowered;
	s6 =	simm.s32 $_tile_overlayer_lowered  }
0x9b: {  	s21 =	simm.s32 $0x1BFF;
	s20 =	sshll.u32 s6, $0x1;
	s3 =	sadd.s32 s4, s18  }
0x9c: {  	s7 =	simm.s32 $0x0;
	s19 =	sshll.u32 s5, $0x1;
	s5 =	sadd.s32 s20, s3  }
0x9d: {  	[timem:s7], [sflag:s21] =	dma.local [hbm:s5], s19  }
0x9e: {  	_ =	swait.ge [sflag:s21], s19  }
0x9f: {  	s4 =	ssub.s32 $0x0, s19;
	[sflag:s21] =	ssyncset.done $0x0  }
0xa0: {  	[sflag:s21] =	ssyncadd.s32 s4;
	_ =	sdelay $0x1  }
0xa1: {  	s22 =	simm.s32 $0x1B8B  }
0xa2: {  	_ =	swait.ge [sflag:s22], $0x1  }
0xa3: {  	[sflag:s22] =	ssyncset.done $0x0  }
0xa4: {  	s23 =	sld [smem:$0x3FFE];
	[sflag:s22] =	ssyncadd.s32 $0xFFFFFFFF  }
0xa5: {  	s25 =	simm.s32 $0x1B8E;
	s24 =	sld [smem:$0x0]  }
0xa6: {  	s26 =	simm.s32 $execute0_lowered;
	[smem:$0x3FD2] =	sst s25  }
0xa7: {  	s6 =	sshll.u32 s26, $0x1;
	_ =	strace $0x80000046;
	[dreg:$0x1] =	wrdreg $0xFFFFFFFF  }
0xa8: {  	s28 =	simm.s32 $_size_execute0_lowered;
	s3 =	sadd.s32 s3, s6;
	[dreg:$0x0] =	wrdreg $0x0  }
0xa9: {  	s6 =	sshll.u32 s28, $0x1;
	[dreg:$0x2] =	wrdreg s3  }
0xaa: {  	[dreg:$0x3] =	wrdreg s6  }
0xab: {  	[dreg:$0x4] =	wrdreg $0xC0  }
0xac: {  	_ =	task [dreg:s7], $0x5FFFF  }
0xad: {  	[dreg:$0x1] =	wrdreg $0xFFFFFFFF  }
0xae: {  	[dreg:$0x0] =	wrdreg $0x60  }
0xaf: {  	[dreg:$0x2] =	wrdreg s23  }
0xb0: {  	[dreg:$0x3] =	wrdreg s2  }
0xb1: {  	[dreg:$0x4] =	wrdreg s1  }
0xb2: {  	[dreg:$0x5] =	wrdreg s24  }
0xb3: {  	[dreg:$0x6] =	wrdreg $0x9  }
0xb4: {  	_ =	task.clear_ibuf [dreg:s7], $0x7FFFF;
	_ =	strace $0x90000046  }
0xb5: {  	s29 =	simm.s32 $0x9;
	_ =	strace $0x80000048  }
0xb6: {  	_ =	swait.ge [sflag:s29], $0x1  }
0xb7: {  	[sflag:s29] =	ssyncadd.s32 $0xFFFFFFFF  }
0xb8: {  	_ =	strace $0x90000048  }
0xb9: {  	_ =	sfence  }
0xba: {  	s30 =	sld [smem:$0x0];
	_ =	sdelay $0x2  }
0xbb: {  	s31 =	sshll.u32 s1, $0xD;
	s1 =	sshrl.u32 s1, $0x2  }
0xbc: {  	s3 =	sand.u32 $0x4000, s31;
	s1 =	sadd.s32 s1, s30  }
0xbd: {  	s0 =	sor.u32 s3, s0;
	s1 =	sshll.u32 s1, $0x11  }
0xbe: {  	s0 =	sor.u32 s1, s0  }
0xbf: {  	s0 =	sadd.s32 $0x8F2B, s0  }
0xc0: {  	[sflag:s0] =	ssyncadd.remote.s32 $0x1  }
0xc1: {  	_ =	sfence.sel $0xFFFF  }
0xc2: {  	[dreg:$0x0] =	wrdreg $0xFFFFFFFF;
	(pc) =	sbr.abs _section_cstart, $3  }
0xc3: {  	[dreg:$0x1] =	wrdreg $0xFFFFFFFF  }
0xc4: {  	_ =	task.clear_ibuf [dreg:s7], $0x2FFFF;
	_ =	strace $0x9FFFFFFF  }
0xc5: {  	(tm) =	ssettm $0x7FFFFFFF  }
tec
execute0_lowered:
.L_overlay_start_1:
0x0: {  	(tag) =	ssettag $0x1  }
0x1: {  	s2 =	rddreg [dreg:$0x0]  }
0x2: {  	s0 =	rddreg [dreg:$0x1]  }
0x3: {  	s3 =	rddreg [dreg:$0x2];
	_ =	strace $0x80000047;
	s1 =	simm.s32 $0x1  }
0x4: {  	s4 =	simm.s32 $0x88;
	v0 =	vimm.s32 $0x0;
	[sflag:s1] =	ssyncpa.u1 $0x0  }
0x5: {  	[tilespmem:s4+$0x30] =	vst v0  }
0x6: {  	s1 =	sadd.s32 $0x14200, s2;
	s6 =	sadd.s32 $0x914200, s2;
	[tilespmem:s4+$0x20] =	vst v0  }
0x7: {  	s14 =	sadd.s32 $0x2200, s2;
	s9 =	sand.u32 $0x1, s3;
	s2 =	simm.s32 $0x40;
	[tilespmem:s4+$0x10] =	vst v0  }
.LBB2_1:
0x8: {  	s2 =	sadd.s32 $0x40, s2  }
0x9: {  	[tilespmem:s4+$0x0] =	vst v0;
	s4 =	sadd.s32 $0x40, s4;
	p0 =	slt.u32 s2, $0x5040  }
.Ltmp0:
0xa: {  	(pc) =	sbr.rel @p0 .LBB2_1-.Ltmp0, $4  }
0xb: {  	_ = 	snop  }
0xc: {  	[tilespmem:s4+$0x30] =	vst v0  }
0xd: {  	[tilespmem:s4+$0x20] =	vst v0  }
0xe: {  	[tilespmem:s4+$0x10] =	vst v0  }
0xf: {  	s10 =	stileid.u32  }
0x10: {  	s2 =	smul.u32 $0x39, s10  }
0x11: {  	s3 =	smin.u32 s10, $0xA  }
0x12: {  	s2 =	sadd.s32 s3, s2  }
0x13: {  	p0 =	slt.u32 s10, $0xA;
	s7 =	smul.u32 $0x140, s2;
	s2 =	simm.s32 $0x4880  }
0x14: {  	s2 =	simm.s32 @!p0 $0x4740  }
0x15: {  	s2 =	sadd.s32 s2, s7  }
0x16: {  	s8 =	smin.u32 s2, $0x48000  }
0x17: {  	s2 =	ssub.s32 s8, s7  }
0x18: {  	s26 =	simm.s32 $0x2;
	s29 =	simm.s32 $0x9;
	p0 =	sgt.s32 s2, $0x0  }
0x19: {  	s30 =	simm.s32 $0xA;
	s31 =	smul.u32 $0x9000, s9;
	s2 =	simm.s32 @!p0 $0x0  }
0x1a: {  	s11 =	simm.s32 $0xB;
	[dreg:$0x5] =	wrdreg s9;
	s28 =	smulhi.u32 $0x66666667, s2  }
0x1b: {  	s12 =	simm.s32 $0x1;
	s18 =	simm.s32 $0x0;
	p1 =	por $0x0, $0x0  }
0x1c: {  	s19 =	simm.s32 $0xC;
	s23 =	simm.s32 $0x0;
	s3 =	sshrl.u32 s28, $0x7  }
0x1d: {  	s20 =	simm.s32 $0x0;
	s22 =	simm.s32 $0x0;
	s5 =	smul.u32 $0x140, s3  }
.Ltmp1:
0x1e: {  	[tilespmem:s4+$0x0] =	vst v0;
	v0 =	vimm.s32 $0xFFFFFFFF;
	[sflag:s26] =	ssyncpa.u1 $0x0;
	s16 =	sshll.u32 s10, $0x7;
	(pc) =	sbr.rel .LBB2_3-.Ltmp1, $4  }
0x1f: {  	[tilespmem:$0xA108] =	vst v0;
	[sflag:s29] =	ssyncpa.u1 $0x0;
	p0 =	sne.s32 s2, s5;
	s2 =	simm.s32 $0x1  }
0x20: {  	s14 =	sadd.s32 s31, s14;
	[sflag:s30] =	ssyncpa.u1 $0x0;
	s2 =	simm.s32 @!p0 $0x0  }
0x21: {  	s15 =	sadd.s32 s31, s0;
	[sflag:s11] =	ssyncpa.u1 $0x0;
	s13 =	sadd.s32 s2, s3  }
0x22: {  	v0 =	vlaneseq.u32;
	s21 =	smov.u32 s7;
	p0 =	por $0x1, $0x1;
	s17 =	sadd.s32 $0x1, s13  }
.LBB2_24:
0x23: {  	s0 =	sshrl.u32 s0, $0x2  }
.LBB2_26:
0x24: {  	_ =	swait.ge [sflag:s19], s0  }
0x25: {  	s30 =	ssub.s32 $0x0, s0;
	v1 =	vmov s25;
	vm0 =	veq.s32 v0, $0x0;
	[sflag:s19] =	ssyncset.done $0x0  }
0x26: {  	vm15 =	veq.s32 v0, $0x2;
	v1 =	vsel vm0, s31, v1;
	[sflag:s19] =	ssyncadd.s32 s30  }
0x27: {  	v1 =	vsel vm15, s23, v1;
	[sflag:s19] =	ssyncpa.u1 $0x1  }
0x28: {  	[tilespmem:$0xA108] =	vst v1  }
.LBB2_27:
0x29: {  	s0 =	sadd.s32 $0x140, s21  }
0x2a: {  	s2 =	smov.u32 s7;
	p2 =	slt.s32 s0, s8  }
0x2b: {  	s2 =	smov.u32 @p2 s0;
	p2 =	sne.s32 s22, s17  }
.Ltmp2:
0x2c: {  	_ = 	snop;
	(pc) =	sbr.rel @!p2 .LBB2_28-.Ltmp2, $4  }
0x2d: {  	_ = 	snop  }
0x2e: {  	s23 =	smov.u32 s20  }
0x2f: {  	s31 =	sadd.s32 $0x1, s22;
	s20 =	smov.u32 s21;
	p0 =	por !p0, !p0  }
0x30: {  	p1 =	por !p1, !p1;
	s22 =	smov.u32 s31;
	s21 =	smov.u32 s2  }
.LBB2_3:
0x31: {  	p2 =	sge.u32 s22, s13  }
0x32: {  	s0 =	smulhi.u32 @!p2 $0xAAAAAAAB, s22  }
0x33: {  	s2 =	smov.u32 s21;
	p3 =	sgt.s32 @!p2 s21, $0x47EC0  }
0x34: {  	s3 =	sshra.s32 @!p2 s21, $0x1F;
	p3 =	por !p3, p2;
	s0 =	sshrl.u32 @!p2 s0, $0x1  }
0x35: {  	s3 =	sand.u32 @!p2 s3, s21;
	s2 =	simm.s32 @p3 $0x47EC0;
	s0 =	smul.u32 @!p2 $0x3, s0  }
0x36: {  	s2 =	ssub.s32 @!p2 s2, s3  }
0x37: {  	s2 =	sadd.s32 @!p2 $0xFFFB8140, s2;
	s0 =	ssub.s32 @!p2 s22, s0  }
0x38: {  	s3 =	sshll.u32 @!p2 s2, $0x2;
	p3 =	sgt.s32 @!p2 s2, $0x13F;
	s0 =	smul.u32 @!p2 $0x500, s0  }
0x39: {  	s4 =	sand.u32 @!p2 $0x7, s21;
	s2 =	ssub.s32 @!p2 $0x500, s3;
	p3 =	por !p3, p2  }
0x3a: {  	s3 =	sshrl.u32 @!p2 s21, $0x3;
	s2 =	sshrl.u32 @!p2 s2, $0x2;
	s0 =	sshrl.u32 @!p2 s0, $0x2  }
0x3b: {  	s3 =	sadd.s32 @!p2 s3, s14;
	s2 =	simm.s32 @!p3 $0x0;
	s0 =	sadd.s32 @!p2 $0xA948, s0  }
0x3c: {  	[tilespmem:s0], [sflag:$0xA] =	stream.linear.gather @!p2 [hbm4b:s3+s4], s2, $0x38;
	[tilespmem:$0x1EF88] =	vst v63  }
0x3d: {  	s4 =	sadd.s32 $0xFFFFFFFF, s22  }
0x3e: {  	p2 =	sge.u32 s4, s13  }
0x3f: {  	p3 =	sgt.s32 @!p2 s20, $0x47EC0  }
0x40: {  	s0 =	smov.u32 s20;
	s2 =	sshra.s32 @!p2 s20, $0x1F;
	p3 =	por !p3, p2  }
0x41: {  	s2 =	sand.u32 @!p2 s2, s20;
	s0 =	simm.s32 @p3 $0x47EC0  }
0x42: {  	s0 =	ssub.s32 @!p2 s0, s2  }
0x43: {  	s0 =	sadd.s32 @!p2 $0xFFFB8140, s0  }
0x44: {  	s2 =	sshll.u32 @!p2 s0, $0x2  }
0x45: {  	p3 =	sgt.s32 @!p2 s0, $0x13F;
	s0 =	ssub.s32 @!p2 $0x500, s2  }
0x46: {  	p3 =	por !p3, p2;
	s0 =	sshrl.u32 @!p2 s0, $0x2  }
0x47: {  	s3 =	simm.s32 @!p2 $0xA;
	s2 =	sand.u32 @!p2 $0x1, s4;
	s0 =	simm.s32 @!p3 $0x0  }
0x48: {  	s2 =	smul.u32 @!p2 $0x500, s2;
	_ =	swait.ge @!p2 [sflag:s3], s0  }
0x49: {  	s5 =	ssub.s32 @!p2 $0x0, s0;
	[sflag:s3] =	ssyncset.done @!p2 $0x0  }
0x4a: {  	s2 =	sshrl.u32 @!p2 s2, $0x2;
	[sflag:s3] =	ssyncadd.s32 @!p2 s5;
	s3 =	sshrl.u32 @!p2 s20, $0x3  }
0x4b: {  	s2 =	sadd.s32 @!p2 $0xAD08, s2;
	s5 =	sand.u32 @!p2 $0x7, s20;
	s3 =	sadd.s32 @!p2 s3, s15  }
0x4c: {  	[tilespmem:s2], [sflag:$0xB] =	stream.linear.gather @!p2 [hbm4b:s3+s5], s0, $0x38;
	[tilespmem:$0x1EF88] =	vst v63  }
0x4d: {  	s0 =	ssub.s32 @!p2 $0x48000, s20  }
0x4e: {  	p3 =	slt.s32 @!p2 s0, $0x1  }
0x4f: {  	p3 =	por p2, p3  }
.Ltmp3:
0x50: {  	_ = 	snop;
	(pc) =	sbr.rel @p3 .LBB2_9-.Ltmp3, $1  }
0x51: {  	_ =	sdelay $0x3  }
0x52: {  	s2 =	smulhi.u32 $0xAAAAAAAB, s4;
	_ =	sdelay $0x1  }
0x53: {  	s2 =	sshrl.u32 s2, $0x1  }
0x54: {  	s2 =	smul.u32 $0x3, s2;
	_ =	sdelay $0x1  }
0x55: {  	s2 =	ssub.s32 s4, s2  }
0x56: {  	s3 =	simm.s32 $0x1;
	s2 =	smul.u32 $0x500, s2  }
.Ltmp4:
0x57: {  	s3 =	simm.s32 @!p0 $0x0;
	(pc) =	sbr.rel .LBB2_6-.Ltmp4, $4  }
0x58: {  	s3 =	smul.u32 $0x28000, s3  }
0x59: {  	p3 =	slt.s32 @!p2 s0, $0x140;
	s2 =	sshrl.u32 s2, $0x2  }
0x5a: {  	p2 =	por !p3, p2;
	s3 =	sshrl.u32 s3, $0x2;
	s2 =	sadd.s32 $0xA948, s2  }
0x5b: {  	s24 =	simm.s32 $0x0;
	s0 =	simm.s32 @p2 $0x140;
	s4 =	sadd.s32 $0xAF88, s3;
	v1 =	vmov s2  }
.LBB2_5:
0x5c: {  	p2 =	sge.s32 s24, s0  }
.Ltmp5:
0x5d: {  	_ = 	snop;
	(pc) =	sbr.rel @p2 .LBB2_9-.Ltmp5, $2  }
0x5e: {  	_ =	sdelay $0x2  }
0x5f: {  	s4 =	sadd.s32 $0x800, s4  }
.LBB2_6:
0x60: {  	p2 =	sle.s32 s0, s24  }
.Ltmp6:
0x61: {  	_ = 	snop;
	(pc) =	sbr.rel @p2 .LBB2_5-.Ltmp6, $2  }
0x62: {  	_ =	sdelay $0x2  }
0x63: {  	s5 =	smov.u32 s24;
	s24 =	sadd.s32 $0x10, s24  }
0x64: {  	s2 =	ssub.s32 s0, s5  }
0x65: {  	p2 =	slt.s32 s2, $0x10  }
0x66: {  	s2 =	simm.s32 @!p2 $0x10  }
0x67: {  	v2 =	vmov s2  }
0x68: {  	vm0 =	vgt.s32 v2, v0;
	_ =	sdelay $0x5  }
0x69: {  	v2 =	vld.idx.msk [tilespmem:v1+s5+$0x0 ss:$0x1], vm0;
	_ =	sdelay $0x2  }
0x6a: {  	p2 =	slt.s32 s24, s0;
	s2 =	smov.u32 s0  }
0x6b: {  	s3 =	smov.u32 s4;
	s25 =	simm.s32 $0x0;
	s2 =	smov.u32 @p2 s24  }
.LBB2_8:
0x6c: {  	(v2sf) =	vpush v2, s25;
	_ =	sdelay $0xc  }
0x6d: {  	s25 =	sadd.s32 $0x1, s25  }
0x6e: {  	s31 =	sadd.s32 s25, s5  }
0x6f: {  	p2 =	slt.s32 s31, s2;
	s9 =	spop (v2sf)  }
.Ltmp7:
0x70: {  	s9 =	sshll.u32 s9, $0x4;
	(pc) =	sbr.rel @p2 .LBB2_8-.Ltmp7, $4  }
0x71: {  	s9 =	sand.u32 $0x1FFFFFF0, s9  }
0x72: {  	s9 =	sadd.s32 s6, s9  }
0x73: {  	[tilespmem:s3], [sflag:$0x9] =	stream.linear.gather [hbm4b:s9+s18], $0x40, $0x38;
	[tilespmem:$0x1EF88] =	vst v63  }
0x74: {  	s3 =	sadd.s32 $0x80, s3  }
.Ltmp8:
0x75: {  	_ = 	snop;
	(pc) =	sbr.rel .LBB2_5-.Ltmp8, $1  }
0x76: {  	_ =	sdelay $0x3  }
.LBB2_9:
0x77: {  	p2 =	slt.u32 s22, $0x2  }
.Ltmp9:
0x78: {  	_ = 	snop;
	(pc) =	sbr.rel @p2 .LBB2_27-.Ltmp9, $1  }
0x79: {  	_ =	sdelay $0x3  }
0x7a: {  	p2 =	sgt.s32 s23, $0x47EC0  }
0x7b: {  	s0 =	smov.u32 s23;
	s2 =	sshra.s32 s23, $0x1F;
	s3 =	ssub.s32 $0x48000, s23  }
0x7c: {  	s0 =	simm.s32 @!p2 $0x47EC0;
	s2 =	sand.u32 s2, s23;
	p2 =	slt.s32 s3, $0x140  }
0x7d: {  	s0 =	ssub.s32 s0, s2;
	s3 =	simm.s32 @!p2 $0x140  }
0x7e: {  	s0 =	sadd.s32 $0xFFFB8140, s0;
	s10 =	sshll.u32 s3, $0x6  }
0x7f: {  	s26 =	simm.s32 $0x9;
	s24 =	sshll.u32 s0, $0x2;
	s2 =	sand.u32 $0x3FFFFFC0, s10  }
0x80: {  	p2 =	sgt.s32 s0, $0x13F;
	s25 =	ssub.s32 $0x500, s24;
	_ =	swait.ge [sflag:s26], s2  }
0x81: {  	s2 =	ssub.s32 $0x0, s2;
	[sflag:s26] =	ssyncset.done $0x0;
	s0 =	sshrl.u32 s25, $0x2  }
0x82: {  	[sflag:s26] =	ssyncadd.s32 s2;
	s0 =	simm.s32 @p2 $0x0  }
0x83: {  	_ =	swait.ge [sflag:s11], s0  }
0x84: {  	s0 =	ssub.s32 $0x0, s0;
	[sflag:s11] =	ssyncset.done $0x0  }
0x85: {  	[sflag:s11] =	ssyncadd.s32 s0  }
0x86: {  	v1 =	vld [tilespmem:$0xA108];
	_ =	sdelay $0x4  }
0x87: {  	(v2sf) =	vpush v1, $0x0  }
0x88: {  	(v2sf) =	vpush v1, $0x1  }
0x89: {  	(v2sf) =	vpush v1, $0x2;
	_ =	sdelay $0x3  }
0x8a: {  	s0 =	sadd.s32 $0x140, s23  }
0x8b: {  	s2 =	ssub.s32 $0x90000, s23;
	p2 =	slt.s32 s8, s0  }
0x8c: {  	s0 =	smov.u32 @p2 s8;
	p2 =	sgt.s32 s2, $0x0  }
0x8d: {  	s0 =	ssub.s32 s0, s23;
	s2 =	simm.s32 @!p2 $0x0  }
0x8e: {  	p2 =	slt.s32 s2, s0  }
0x8f: {  	s0 =	smov.u32 @p2 s2  }
0x90: {  	s26 =	simm.s32 $0x1;
	p2 =	slt.s32 s0, $0x1  }
.Ltmp10:
0x91: {  	s26 =	simm.s32 @!p1 $0x0;
	(pc) =	sbr.rel @p2 .LBB2_14-.Ltmp10, $4  }
0x92: {  	s30 =	smul.u32 $0x500, s26  }
0x93: {  	s28 =	spop (v2sf)  }
0x94: {  	s31 =	sshrl.u32 s30, $0x2;
	s29 =	spop (v2sf)  }
0x95: {  	s24 =	sadd.s32 $0xAD08, s31;
	s23 =	spop (v2sf)  }
0x96: {  	s2 =	smin.u32 s0, $0x10  }
0x97: {  	v1 =	vmov s2  }
0x98: {  	p3 =	sgt.s32 s0, $0x10;
	vm1 =	vgt.u32 v1, v0  }
.Ltmp11:
0x99: {  	_ = 	snop;
	(pc) =	sbr.rel @!p3 .LBB2_13-.Ltmp11, $2  }
0x9a: {  	_ =	sdelay $0x2  }
0x9b: {  	s5 =	simm.s32 $0x10;
	s25 =	sadd.s32 $0xFFFFFFF0, s0;
	s4 =	smov.u32 s24;
	vm0 =	vmmov vm1  }
.LBB2_12:
0x9c: {  	s2 =	smin.u32 s25, $0x10;
	s5 =	sadd.s32 $0x10, s5;
	v1 =	vld.msk [tilespmem:s4+$0x0 ss:$0x1], vm1  }
0x9d: {  	v2 =	vmov s2;
	p3 =	slt.s32 s5, s0  }
0x9e: {  	vm1 =	vgt.u32 v2, v0  }
.Ltmp12:
0x9f: {  	(pc) =	sbr.rel @p3 .LBB2_12-.Ltmp12, $3  }
0xa0: {  	_ =	sdelay $0x1  }
0xa1: {  	v1 =	vshll.u32 v1, $0x4  }
0xa2: {  	s25 =	sadd.s32 $0xFFFFFFF0, s25;
	[tilespmem:s4+$0x0] =	vst.msk vm0, v1;
	s4 =	sadd.s32 $0x10, s4;
	vm0 =	vmmov vm1  }
.LBB2_13:
0xa3: {  	_ =	sdelay $0x4  }
0xa4: {  	v1 =	vld.msk [tilespmem:s4+$0x0 ss:$0x1], vm1;
	_ =	sdelay $0x4  }
0xa5: {  	v1 =	vshll.u32 v1, $0x4  }
0xa6: {  	[tilespmem:s4+$0x0] =	vst.msk vm0, v1  }
.LBB2_14:
0xa7: {  	s2 =	sand.u32 $0x1, s22  }
0xa8: {  	s2 =	smul.u32 $0x140, s2  }
0xa9: {  	p3 =	sne.s32 s29, $0xFFFFFFFF  }
0xaa: {  	v1 =	vld.msk @!p3 [tilespmem:s2+$0xAD08], $0x1;
	_ =	sdelay $0x4  }
0xab: {  	(v2sf) =	vpush @!p3 v1, $0x0;
	_ =	sdelay $0xc  }
.Ltmp13:
0xac: {  	_ = 	snop;
	(pc) =	sbr.rel @p2 .LBB2_25-.Ltmp13, $4  }
0xad: {  	_ = 	snop  }
0xae: {  	s30 =	spop @!p3 (v2sf)  }
0xaf: {  	s23 =	simm.s32 @!p3 $0x0;
	s25 =	smov.u32 s30  }
0xb0: {  	[sflag:s19] =	ssyncpa.u1 $0x0;
	s30 =	smov.u32 @p3 s28;
	s25 =	smov.u32 @p3 s29  }
0xb1: {  	v1 =	vld.msk [tilespmem:s24+$0x0], $0x1;
	_ =	sdelay $0x4  }
0xb2: {  	(v2sf) =	vpush v1, $0x0;
	_ =	sdelay $0xe  }
0xb3: {  	s2 =	smul.u32 $0x28000, s26;
	s4 =	spop (v2sf)  }
0xb4: {  	s28 =	ssub.s32 $0x0, s0;
	p2 =	seq.s32 s30, s4  }
0xb5: {  	s0 =	sadd.s32 $0x1, s28;
	s2 =	sshrl.u32 s2, $0x2;
	p3 =	sgt.s32 @!p2 s30, $0x0  }
0xb6: {  	s26 =	sadd.s32 $0xAFA8, s2;
	s2 =	smov.u32 s30;
	p3 =	por !p3, p2  }
0xb7: {  	s2 =	simm.s32 @p3 $0x0;
	p3 =	seq.s32 s0, $0x0  }
.Ltmp14:
0xb8: {  	_ = 	snop;
	(pc) =	sbr.rel @p3 .LBB2_17-.Ltmp14, $4  }
0xb9: {  	_ = 	snop  }
0xba: {  	s29 =	simm.s32 $0x0;
	s5 =	simm.s32 @!p2 $0x1;
	s3 =	smin.u32 @!p2 s2, $0x41FF8  }
0xbb: {  	s31 =	sadd.s32 $0x1, s24;
	s5 =	smov.u32 @p2 s29;
	s9 =	sand.u32 @!p2 $0x7FFF8, s3  }
0xbc: {  	s2 =	simm.s32 @!p2 $0x50C8;
	s3 =	sand.u32 @!p2 $0x7, s3;
	s9 =	sadd.s32 @!p2 s1, s9  }
.LBB2_16:
0xbd: {  	s10 =	smov.u32 s5  }
0xbe: {  	[tilespmem:s2], [sflag:$0x2] =	stream.linear.gather @!p2 [hbm4b:s9+s3], $0x40, $0x38;
	[tilespmem:$0x1EF88] =	vst v63  }
0xbf: {  	s0 =	sadd.s32 $0x1, s0;
	s3 =	smov.u32 s4;
	v1 =	vld.msk [tilespmem:s31+$0x0], $0x1  }
0xc0: {  	p3 =	seq.s32 s0, $0x0;
	_ =	sdelay $0x3  }
0xc1: {  	(v2sf) =	vpush v1, $0x0;
	_ =	sdelay $0xe  }
0xc2: {  	s4 =	spop (v2sf)  }
0xc3: {  	p2 =	seq.s32 s3, s4  }
0xc4: {  	p4 =	sgt.s32 @!p2 s3, $0x0;
	s2 =	sshll.u32 @!p2 s5, $0x8;
	s5 =	sadd.s32 @!p2 $0x1, s5  }
.Ltmp15:
0xc5: {  	p4 =	por !p4, p2;
	s2 =	sshra.s32 @!p2 s2, $0x2;
	(pc) =	sbr.rel @!p3 .LBB2_16-.Ltmp15, $4  }
0xc6: {  	s5 =	smov.u32 @p2 s10;
	s3 =	simm.s32 @p4 $0x0;
	s2 =	sadd.s32 @!p2 $0x50C8, s2  }
0xc7: {  	s3 =	smin.u32 @!p2 s3, $0x41FF8  }
0xc8: {  	s9 =	sand.u32 @!p2 $0x7FFF8, s3;
	s3 =	sand.u32 @!p2 $0x7, s3  }
0xc9: {  	s31 =	sadd.s32 $0x1, s31;
	s9 =	sadd.s32 @!p2 s1, s9  }
.LBB2_17:
0xca: {  	[tilespmem:s2], [sflag:$0x2] =	stream.linear.gather @!p2 [hbm4b:s9+s3], $0x40, $0x38;
	[tilespmem:$0x1EF88] =	vst v63  }
.Ltmp16:
0xcb: {  	s0 =	sshll.u32 s5, $0x6;
	(pc) =	sbr.rel .LBB2_18-.Ltmp16, $4  }
0xcc: {  	s31 =	simm.s32 $0x2;
	s0 =	sand.u32 $0x3FFFFFC0, s0  }
0xcd: {  	_ =	swait.ge [sflag:s31], s0  }
0xce: {  	s0 =	ssub.s32 $0x0, s0;
	[sflag:s31] =	ssyncset.done $0x0  }
0xcf: {  	[sflag:s31] =	ssyncadd.s32 s0;
	s0 =	simm.s32 $0x0  }
.LBB2_19:
0xd0: {  	v1 =	vld [tilespmem:s26+$0xFFFFFFE0];
	_ =	sdelay $0x4  }
0xd1: {  	[tilespmem:s4+$0x88] =	vst.add.f32.msk $0xffff, v1  }
0xd2: {  	v1 =	vld [tilespmem:s26+$0xFFFFFFF0];
	_ =	sdelay $0x4  }
0xd3: {  	[tilespmem:s4+$0x98] =	vst.add.f32.msk $0xffff, v1  }
0xd4: {  	v1 =	vld [tilespmem:s26+$0x0];
	_ =	sdelay $0x4  }
0xd5: {  	[tilespmem:s4+$0xA8] =	vst.add.f32.msk $0xffff, v1  }
0xd6: {  	v1 =	vld [tilespmem:s26+$0x10];
	_ =	sdelay $0x4  }
0xd7: {  	[tilespmem:s4+$0xB8] =	vst.add.f32.msk $0xffff, v1  }
.LBB2_23:
0xd8: {  	s28 =	sadd.s32 $0x1, s28  }
0xd9: {  	p2 =	seq.s32 s28, $0x0  }
.Ltmp17:
0xda: {  	_ = 	snop;
	(pc) =	sbr.rel @p2 .LBB2_24-.Ltmp17, $2  }
0xdb: {  	_ =	sdelay $0x2  }
0xdc: {  	s26 =	sadd.s32 $0x80, s26;
	s24 =	sadd.s32 $0x1, s24;
	s30 =	smov.u32 s31  }
.LBB2_18:
0xdd: {  	v1 =	vld.msk [tilespmem:s24+$0x0], $0x1;
	_ =	sdelay $0x4  }
0xde: {  	(v2sf) =	vpush v1, $0x0;
	_ =	sdelay $0xe  }
0xdf: {  	s31 =	spop (v2sf)  }
0xe0: {  	p2 =	sne.s32 s30, s31  }
.Ltmp18:
0xe1: {  	_ = 	snop;
	(pc) =	sbr.rel @!p2 .LBB2_19-.Ltmp18, $3  }
0xe2: {  	_ =	sdelay $0x1  }
0xe3: {  	s2 =	sshll.u32 s23, $0x8  }
0xe4: {  	s4 =	sshra.s32 s2, $0x2  }
0xe5: {  	p2 =	seq.s32 s30, s25  }
.Ltmp19:
0xe6: {  	_ = 	snop;
	(pc) =	sbr.rel @!p2 .LBB2_21-.Ltmp19, $1  }
0xe7: {  	_ =	sdelay $0x3  }
.Ltmp20:
0xe8: {  	s2 =	sadd.s32 $0x88, s4;
	(pc) =	sbr.rel .LBB2_22-.Ltmp20, $4  }
0xe9: {  	[spmem:s16] =	stream.linear.scatter [tilespmem:s2], [sflag:$0x1], $0x40, $0x38;
	[tilespmem:$0x1EF88] =	vst v63  }
0xea: {  	_ =	swait.ge [sflag:s12], $0x40  }
0xeb: {  	[sflag:s12] =	ssyncset.done $0x0  }
0xec: {  	[sflag:s12] =	ssyncadd.s32 $0xFFFFFFC0  }
.LBB2_21:
0xed: {  	s2 =	sshll.u32 s29, $0x8  }
0xee: {  	s2 =	sshra.s32 s2, $0x2  }
0xef: {  	v1 =	vld [tilespmem:s2+$0x50C8];
	_ =	sdelay $0x4  }
0xf0: {  	[tilespmem:s4+$0x88] =	vst.add.f32.msk $0xffff, v1  }
0xf1: {  	v1 =	vld [tilespmem:s2+$0x50D8];
	_ =	sdelay $0x4  }
0xf2: {  	[tilespmem:s4+$0x98] =	vst.add.f32.msk $0xffff, v1  }
0xf3: {  	v1 =	vld [tilespmem:s2+$0x50E8];
	_ =	sdelay $0x4  }
0xf4: {  	[tilespmem:s4+$0xA8] =	vst.add.f32.msk $0xffff, v1  }
0xf5: {  	v1 =	vld [tilespmem:s2+$0x50F8];
	_ =	sdelay $0x2  }
0xf6: {  	p2 =	sgt.u32 s30, $0x41FF8  }
0xf7: {  	s2 =	sand.u32 @!p2 $0x7FFF8, s30  }
0xf8: {  	s3 =	sadd.s32 $0x88, s4;
	s2 =	sadd.s32 @!p2 s1, s2;
	[tilespmem:s4+$0xB8] =	vst.add.f32.msk $0xffff, v1;
	s4 =	sand.u32 @!p2 $0x7, s30  }
0xf9: {  	[hbm4b:s2+s4] =	stream.linear.scatter @!p2 [tilespmem:s3], [sflag:$0xC], $0x40, $0x38;
	[tilespmem:$0x1EF88] =	vst v63  }
0xfa: {  	s2 =	simm.s32 $0x0  }
0xfb: {  	s2 =	simm.s32 @!p2 $0x100  }
0xfc: {  	s0 =	sadd.s32 s2, s0  }
.LBB2_22:
0xfd: {  	s2 =	sadd.s32 $0x1, s23  }
0xfe: {  	s3 =	smulhi.u32 $0xCCCCCCCD, s2;
	_ =	sdelay $0x1  }
0xff: {  	v1 =	vld [tilespmem:s26+$0xFFFFFFE0];
	s3 =	sshrl.u32 s3, $0x8  }
0x100: {  	s3 =	smul.u32 $0x140, s3;
	_ =	sdelay $0x1  }
0x101: {  	s23 =	ssub.s32 s2, s3  }
0x102: {  	s2 =	sshll.u32 s23, $0x6  }
0x103: {  	[tilespmem:s2+$0x88] =	vst v1  }
0x104: {  	v1 =	vld [tilespmem:s26+$0xFFFFFFF0];
	_ =	sdelay $0x4  }
0x105: {  	[tilespmem:s2+$0x98] =	vst v1  }
0x106: {  	v1 =	vld [tilespmem:s26+$0x0];
	_ =	sdelay $0x4  }
0x107: {  	[tilespmem:s2+$0xA8] =	vst v1  }
0x108: {  	v1 =	vld [tilespmem:s26+$0x10]  }
.Ltmp21:
0x109: {  	_ = 	snop;
	(pc) =	sbr.rel .LBB2_23-.Ltmp21, $2  }
0x10a: {  	_ =	sdelay $0x2  }
0x10b: {  	s29 =	sadd.s32 $0x1, s29;
	[tilespmem:s2+$0xB8] =	vst v1  }
.LBB2_25:
.Ltmp22:
0x10c: {  	(pc) =	sbr.rel .LBB2_26-.Ltmp22, $4  }
0x10d: {  	_ = 	snop  }
0x10e: {  	s0 =	simm.s32 $0x2  }
0x10f: {  	_ =	swait.ge [sflag:s0], $0x0  }
0x110: {  	s31 =	smov.u32 s30;
	[sflag:s0] =	ssyncset.done $0x0;
	s0 =	simm.s32 $0x0  }
.LBB2_28:
0x111: {  	_ =	sfence.sel $0x180000  }
0x112: {  	s0 =	simm.s32 $0x9;
	[bflag:$0x0] =	sbarrier.arrive $0xFFFF  }
0x113: {  	s24 =	simm.s32 $0xA;
	[sflag:s0] =	ssyncpa.u1 $0x1  }
0x114: {  	s25 =	simm.s32 $0xB;
	[sflag:s24] =	ssyncpa.u1 $0x1  }
0x115: {  	s26 =	simm.s32 $0x2;
	[sflag:s25] =	ssyncpa.u1 $0x1  }
0x116: {  	[sflag:s26] =	ssyncpa.u1 $0x1  }
0x117: {  	v0 =	vld [tilespmem:$0xA108];
	_ =	sdelay $0x4  }
0x118: {  	(v2sf) =	vpush v0, $0x0  }
0x119: {  	(v2sf) =	vpush v0, $0x1;
	_ =	sdelay $0x1  }
0x11a: {  	(v2sf) =	vpush v0, $0x2;
	_ =	sdelay $0xb  }
0x11b: {  	s0 =	spop (v2sf)  }
0x11c: {  	s2 =	spop (v2sf)  }
0x11d: {  	s3 =	smov.u32 s0;
	p0 =	sne.s32 s0, s2  }
0x11e: {  	s4 =	spop (v2sf);
	s3 =	simm.s32 @!p0 $0xFFFFFFFF  }
0x11f: {  	v2 =	vimm.s32 $0x1;
	v3 =	vlaneseq.u32;
	p0 =	seq.s32 s4, $0xFFFFFFFF;
	v1 =	vmov s3  }
0x120: {  	s15 =	stileid.u32;
	v0 =	vperm.xlane v0, v2;
	p1 =	sne.s32 @!p0 s0, s2;
	v1 =	vperm.xlane v1, v3  }
0x121: {  	vm0 =	vcmask $0x3F04;
	s6 =	simm.s32 $0xA108;
	s0 =	simm.s32 @!p0 $0x1;
	p1 =	por !p1, p0  }
0x122: {  	s3 =	sshll.u32 s15, $0x1;
	s2 =	sshll.u32 @!p0 s4, $0x8;
	s0 =	simm.s32 @p1 $0x0;
	v0 =	vsel vm0, v1, v0  }
0x123: {  	s5 =	sor.u32 $0x800, s3;
	s2 =	sshra.s32 @!p0 s2, $0x2;
	s0 =	sor.u32 @!p0 s0, s3;
	[tilespmem:$0xA108] =	vst v0  }
0x124: {  	[spmem:s5] =	stream.linear.scatter [tilespmem:s6], [sflag:$0x1], $0x2, $0x38;
	[tilespmem:$0x1EF88] =	vst v63  }
0x125: {  	s2 =	sadd.s32 @!p0 $0x88, s2;
	s0 =	sshll.u32 @!p0 s0, $0x6  }
0x126: {  	[spmem:s0] =	stream.linear.scatter @!p0 [tilespmem:s2], [sflag:$0x1], $0x40, $0x38;
	[tilespmem:$0x1EF88] =	vst v63  }
0x127: {  	s0 =	simm.s32 @!p0 $0x42  }
0x128: {  	s28 =	simm.s32 $0x1;
	s0 =	simm.s32 @p0 $0x2  }
0x129: {  	_ =	swait.ge [sflag:s28], s0  }
0x12a: {  	s0 =	ssub.s32 $0x0, s0;
	[sflag:s28] =	ssyncset.done $0x0  }
0x12b: {  	p0 =	sne.s32 s15, $0x0;
	[sflag:s28] =	ssyncadd.s32 s0  }
.Ltmp23:
0x12c: {  	_ =	sfence.stream.spmem;
	(pc) =	sbr.rel @p0 .LBB2_45-.Ltmp23, $4  }
0x12d: {  	s29 =	simm.s32 $0x3;
	[bflag:$0x0] =	sbarrier.arrive $0xFFFF  }
0x12e: {  	s30 =	simm.s32 $0x4;
	[sflag:s29] =	ssyncpa.u1 $0x1  }
0x12f: {  	s31 =	simm.s32 $0x3C;
	[sflag:s30] =	ssyncpa.u1 $0x1  }
0x130: {  	s14 =	rddreg [dreg:$0x5];
	[sflag:s31] =	ssyncpa.u1 $0x1  }
0x131: {  	_ =	sfence.stream.spmem;
	s0 =	simm.s32 $0x5  }
0x132: {  	s2 =	simm.s32 $0x800;
	s3 =	simm.s32 $0xA118;
	[sflag:s0] =	ssyncpa.u1 $0x0  }
0x133: {  	[tilespmem:s3], [sflag:$0x5] =	stream.linear.gather [spmem:s2], $0x20, $0x38;
	[tilespmem:$0x1EF88] =	vst v63  }
0x134: {  	s26 =	simm.s32 $0x0;
	s28 =	simm.s32 $0xA138  }
0x135: {  	[tilespmem:s28], [sflag:$0x5] =	stream.linear.gather [spmem:s26], $0x800, $0x38;
	[tilespmem:$0x1EF88] =	vst v63  }
0x136: {  	_ =	swait.ge [sflag:s0], $0x820  }
0x137: {  	[sflag:s0] =	ssyncset.done $0x0  }
0x138: {  	s29 =	simm.s32 $0x0;
	[sflag:s0] =	ssyncadd.s32 $0xFFFFF7E0  }
0x139: {  	v0 =	vld.msk [tilespmem:s29+$0xA118], $0x1;
	_ =	sdelay $0x1  }
0x13a: {  	s30 =	simm.s32 $0x1  }
0x13b: {  	v1 =	vld.msk [tilespmem:s30+$0xA118], $0x1;
	_ =	sdelay $0x1  }
0x13c: {  	(v2sf) =	vpush v0, $0x0;
	_ =	sdelay $0x2  }
0x13d: {  	(v2sf) =	vpush v1, $0x0;
	_ =	sdelay $0x2  }
0x13e: {  	s31 =	simm.s32 $0x2  }
0x13f: {  	v0 =	vld.msk [tilespmem:s31+$0xA118], $0x1;
	_ =	sdelay $0x2  }
0x140: {  	s4 =	simm.s32 $0xFFFFFFFF;
	s2 =	simm.s32 $0xFFFFFFFF;
	s0 =	simm.s32 $0xC  }
.LBB2_30:
0x141: {  	s3 =	smov.u32 s4;
	s5 =	smov.u32 s2  }
0x142: {  	s2 =	sshra.s32 s0, $0x2;
	p1 =	sne.s32 s0, $0x7C;
	s0 =	sadd.s32 $0x4, s0;
	(v2sf) =	vpush v0, $0x0  }
0x143: {  	v0 =	vld.msk [tilespmem:s2+$0xA118], $0x1  }
.Ltmp24:
0x144: {  	(pc) =	sbr.rel @p1 .LBB2_30-.Ltmp24, $4  }
0x145: {  	s4 =	spop (v2sf)  }
0x146: {  	p2 =	sne.s32 s5, $0xFFFFFFFF;
	s2 =	smov.u32 s4  }
0x147: {  	p3 =	seq.s32 s4, $0xFFFFFFFF;
	s2 =	smov.u32 @p2 s5  }
0x148: {  	s4 =	smov.u32 @p3 s3;
	s2 =	smov.u32 @p3 s5  }
0x149: {  	(v2sf) =	vpush v0, $0x0;
	_ =	sdelay $0x8  }
0x14a: {  	s0 =	spop (v2sf)  }
0x14b: {  	p1 =	sne.s32 s2, $0xFFFFFFFF;
	s3 =	smov.u32 s0  }
0x14c: {  	s9 =	simm.s32 $0x6;
	p2 =	seq.s32 s0, $0xFFFFFFFF;
	s3 =	smov.u32 @p1 s2  }
0x14d: {  	s6 =	simm.s32 $0x0;
	s3 =	smov.u32 @p2 s2;
	s2 =	spop (v2sf)  }
0x14e: {  	s0 =	smov.u32 @p2 s4;
	p1 =	sne.s32 s3, $0xFFFFFFFF;
	s5 =	smov.u32 s2  }
.Ltmp25:
0x14f: {  	p2 =	seq.s32 s2, $0xFFFFFFFF;
	s5 =	smov.u32 @p1 s3;
	(pc) =	sbr.rel .LBB2_32-.Ltmp25, $4  }
0x150: {  	s10 =	simm.s32 $0xA0C8;
	s5 =	smov.u32 @p2 s3;
	s7 =	spop (v2sf)  }
0x151: {  	s11 =	simm.s32 $0x0;
	p1 =	sne.s32 s5, $0xFFFFFFFF;
	s8 =	smov.u32 s7  }
0x152: {  	s2 =	smov.u32 @p2 s0;
	p2 =	seq.s32 s7, $0xFFFFFFFF;
	s8 =	smov.u32 @p1 s5  }
0x153: {  	[sflag:s9] =	ssyncpa.u1 $0x0;
	s7 =	smov.u32 @p2 s2;
	s8 =	smov.u32 @p2 s5  }
.LBB2_38:
0x154: {  	p1 =	sgt.u32 s12, $0x41FF8  }
0x155: {  	p2 =	seq.s32 @!p1 s12, s8  }
0x156: {  	p1 =	por p1, p2  }
0x157: {  	p2 =	sne.s32 @!p1 s12, s7  }
0x158: {  	p1 =	por p1, !p2  }
0x159: {  	s0 =	sshll.u32 @p1 s11, $0x8  }
0x15a: {  	s0 =	sand.u32 @!p1 $0x7FFF8, s12  }
0x15b: {  	s2 =	sand.u32 @!p1 $0x7, s12;
	s0 =	sadd.s32 @!p1 s1, s0  }
0x15c: {  	[tilespmem:s10], [sflag:$0x6] =	stream.linear.gather @!p1 [hbm4b:s0+s2], $0x40, $0x38;
	[tilespmem:$0x1EF88] =	vst v63  }
0x15d: {  	_ =	swait.ge @!p1 [sflag:s9], $0x40  }
0x15e: {  	[sflag:s9] =	ssyncset.done @!p1 $0x0  }
0x15f: {  	[sflag:s9] =	ssyncadd.s32 @!p1 $0xFFFFFFC0  }
0x160: {  	v1 =	vld @!p1 [tilespmem:$0xA0C8];
	_ =	sdelay $0x2  }
0x161: {  	s0 =	sshll.u32 @!p1 s11, $0x8  }
0x162: {  	s2 =	sshrl.u32 @!p1 s0, $0x2  }
0x163: {  	[tilespmem:s2+$0xA138] =	vst.add.f32.msk @!p1 $0xffff, v1  }
0x164: {  	v1 =	vld @!p1 [tilespmem:$0xA0D8];
	_ =	sdelay $0x4  }
0x165: {  	[tilespmem:s2+$0xA148] =	vst.add.f32.msk @!p1 $0xffff, v1  }
0x166: {  	v1 =	vld @!p1 [tilespmem:$0xA0E8];
	_ =	sdelay $0x4  }
0x167: {  	[tilespmem:s2+$0xA158] =	vst.add.f32.msk @!p1 $0xffff, v1  }
0x168: {  	v1 =	vld @!p1 [tilespmem:$0xA0F8];
	_ =	sdelay $0x4  }
0x169: {  	[tilespmem:s2+$0xA168] =	vst.add.f32.msk @!p1 $0xffff, v1  }
0x16a: {  	s0 =	sshrl.u32 s0, $0x2;
	[tilespmem:s6+$0xA118] =	vst.msk $0x1, v0  }
0x16b: {  	v0 =	vld [tilespmem:s0+$0xA138];
	_ =	sdelay $0x2  }
0x16c: {  	s31 =	sshll.u32 s6, $0x8  }
0x16d: {  	s2 =	sshra.s32 s31, $0x2  }
0x16e: {  	[tilespmem:s2+$0xA138] =	vst v0  }
0x16f: {  	v0 =	vld [tilespmem:s0+$0xA148];
	_ =	sdelay $0x4  }
0x170: {  	[tilespmem:s2+$0xA148] =	vst v0  }
0x171: {  	v0 =	vld [tilespmem:s0+$0xA158];
	_ =	sdelay $0x4  }
0x172: {  	[tilespmem:s2+$0xA158] =	vst v0  }
0x173: {  	v0 =	vld [tilespmem:s0+$0xA168];
	_ =	sdelay $0x4  }
0x174: {  	s6 =	sadd.s32 $0x1, s6;
	[tilespmem:s2+$0xA168] =	vst v0  }
.LBB2_39:
0x175: {  	s11 =	sadd.s32 $0x1, s11  }
0x176: {  	p1 =	sne.s32 s11, $0x20  }
.Ltmp26:
0x177: {  	_ = 	snop;
	(pc) =	sbr.rel @!p1 .LBB2_40-.Ltmp26, $1  }
0x178: {  	_ =	sdelay $0x3  }
.LBB2_32:
0x179: {  	v0 =	vld.msk [tilespmem:s11+$0xA118], $0x1;
	_ =	sdelay $0x4  }
0x17a: {  	(v2sf) =	vpush v0, $0x0;
	_ =	sdelay $0xe  }
0x17b: {  	s12 =	spop (v2sf)  }
0x17c: {  	p1 =	seq.s32 s12, $0xFFFFFFFF  }
.Ltmp27:
0x17d: {  	_ = 	snop;
	(pc) =	sbr.rel @p1 .LBB2_39-.Ltmp27, $1  }
0x17e: {  	_ =	sdelay $0x3  }
0x17f: {  	p1 =	slt.s32 s6, $0x1  }
.Ltmp28:
0x180: {  	_ = 	snop;
	(pc) =	sbr.rel @p1 .LBB2_38-.Ltmp28, $1  }
0x181: {  	_ =	sdelay $0x3  }
0x182: {  	s0 =	simm.s32 $0xA118;
	p1 =	por $0x0, $0x0  }
0x183: {  	v1 =	vld.msk @!p1 [tilespmem:s0+$0x0], $0x1;
	_ =	sdelay $0x4  }
0x184: {  	(v2sf) =	vpush @!p1 v1, $0x0;
	_ =	sdelay $0xd  }
0x185: {  	p3 =	sne.s32 s6, $0x1  }
.Ltmp29:
0x186: {  	s2 =	spop @!p1 (v2sf);
	(pc) =	sbr.rel @!p3 .LBB2_36-.Ltmp29, $4  }
0x187: {  	p2 =	seq.s32 @!p1 s12, s2  }
0x188: {  	s13 =	simm.s32 $0x0;
	p2 =	por !p2, p1  }
0x189: {  	s2 =	simm.s32 $0xFFFFFFFF;
	s13 =	simm.s32 @p2 $0xFFFFFFFF  }
0x18a: {  	s4 =	simm.s32 $0x1;
	s13 =	smov.u32 @p1 s2  }
.LBB2_35:
0x18b: {  	s2 =	smov.u32 s13;
	p1 =	sne.s32 s13, $0xFFFFFFFF  }
0x18c: {  	s0 =	sadd.s32 $0x1, s0;
	s13 =	smov.u32 s4;
	s4 =	sadd.s32 $0x1, s4  }
0x18d: {  	p2 =	sne.s32 s6, s4;
	v1 =	vld.msk @!p1 [tilespmem:s0+$0x0], $0x1;
	_ =	sdelay $0x4  }
0x18e: {  	(v2sf) =	vpush @!p1 v1, $0x0;
	_ =	sdelay $0xe  }
.Ltmp30:
0x18f: {  	s3 =	spop @!p1 (v2sf);
	(pc) =	sbr.rel @p2 .LBB2_35-.Ltmp30, $4  }
0x190: {  	p3 =	seq.s32 @!p1 s12, s3  }
0x191: {  	p3 =	por !p3, p1  }
0x192: {  	s13 =	simm.s32 @p3 $0xFFFFFFFF  }
0x193: {  	s13 =	smov.u32 @p1 s2  }
.LBB2_36:
0x194: {  	p1 =	seq.s32 s13, $0xFFFFFFFF  }
.Ltmp31:
0x195: {  	_ = 	snop;
	(pc) =	sbr.rel @p1 .LBB2_38-.Ltmp31, $1  }
0x196: {  	_ =	sdelay $0x3  }
0x197: {  	s0 =	sshll.u32 s11, $0x6  }
0x198: {  	s0 =	sand.u32 $0x3FFFFFC0, s0  }
0x199: {  	v0 =	vld [tilespmem:s0+$0xA138];
	_ =	sdelay $0x2  }
0x19a: {  	s2 =	sshll.u32 s13, $0x8  }
0x19b: {  	s2 =	sshra.s32 s2, $0x2  }
0x19c: {  	[tilespmem:s2+$0xA138] =	vst.add.f32.msk $0xffff, v0  }
0x19d: {  	v0 =	vld [tilespmem:s0+$0xA148];
	_ =	sdelay $0x4  }
0x19e: {  	[tilespmem:s2+$0xA148] =	vst.add.f32.msk $0xffff, v0  }
0x19f: {  	v0 =	vld [tilespmem:s0+$0xA158];
	_ =	sdelay $0x4  }
0x1a0: {  	[tilespmem:s2+$0xA158] =	vst.add.f32.msk $0xffff, v0  }
0x1a1: {  	v0 =	vld [tilespmem:s0+$0xA168]  }
.Ltmp32:
0x1a2: {  	_ = 	snop;
	(pc) =	sbr.rel .LBB2_39-.Ltmp32, $2  }
0x1a3: {  	_ =	sdelay $0x2  }
0x1a4: {  	[tilespmem:s2+$0xA168] =	vst.add.f32.msk $0xffff, v0  }
.LBB2_40:
0x1a5: {  	s0 =	simm.s32 $0x6;
	p1 =	seq.s32 s6, $0x0  }
0x1a6: {  	[sflag:s0] =	ssyncpa.u1 $0x1;
	v0 =	vimm.s32 @p1 $0xFFFFFFFF  }
0x1a7: {  	s0 =	sadd.s32 $0xFFFFFFFF, s6;
	[tilespmem:$0xA938] =	vst @p1 v0  }
0x1a8: {  	v0 =	vld.msk @!p1 [tilespmem:s0+$0xA118], $0x1;
	_ =	sdelay $0x1  }
0x1a9: {  	v1 =	vld.msk @!p1 [tilespmem:$0xA118], $0x1;
	_ =	sdelay $0x2  }
0x1aa: {  	p2 =	seq.s32 @!p1 s0, $0x0;
	v0 =	vbroadcast @!p1 v0, $0x0  }
0x1ab: {  	vm0 =	vmmov @!p1 $0x1;
	p2 =	por !p2, p1  }
0x1ac: {  	v1 =	vnsel @!p1 vm0, $0xFFFFFFFF, v1;
	vm0 =	vcmask @!p1 $0x308;
	v0 =	vpsel !p2, $0xFFFFFFFF, v0  }
0x1ad: {  	p2 =	sne.s32 @!p1 s8, s7;
	v0 =	vsel @!p1 vm0, v1, v0  }
0x1ae: {  	s2 =	simm.s32 @!p1 $0xA138;
	s3 =	simm.s32 @!p1 $0x0;
	p3 =	por !p2, p1;
	[tilespmem:$0xA938] =	vst @!p1 v0  }
0x1af: {  	[spmem:s3] =	stream.linear.scatter @!p1 [tilespmem:s2], [sflag:$0x1], $0x40, $0x38;
	[tilespmem:$0x1EF88] =	vst v63  }
0x1b0: {  	s2 =	sshll.u32 @!p3 s0, $0x8  }
0x1b1: {  	s2 =	sshra.s32 @!p3 s2, $0x2  }
0x1b2: {  	s3 =	simm.s32 @!p3 $0x40;
	s2 =	sadd.s32 @!p3 $0xA138, s2  }
0x1b3: {  	[spmem:s3] =	stream.linear.scatter @!p3 [tilespmem:s2], [sflag:$0x1], $0x40, $0x38;
	[tilespmem:$0x1EF88] =	vst v63  }
0x1b4: {  	s2 =	simm.s32 @!p3 $0x1  }
0x1b5: {  	_ =	swait.ge @!p3 [sflag:s2], $0x80  }
0x1b6: {  	p1 =	por p2, p1;
	[sflag:s2] =	ssyncset.done @!p3 $0x0  }
0x1b7: {  	[sflag:s2] =	ssyncadd.s32 @!p3 $0xFFFFFF80;
	s2 =	simm.s32 @!p1 $0x1  }
0x1b8: {  	_ =	swait.ge @!p1 [sflag:s2], $0x40  }
0x1b9: {  	s29 =	simm.s32 $0xA938;
	[sflag:s2] =	ssyncset.done @!p1 $0x0  }
0x1ba: {  	s30 =	simm.s32 $0x800;
	s31 =	simm.s32 $0x1;
	[sflag:s2] =	ssyncadd.s32 @!p1 $0xFFFFFFC0  }
0x1bb: {  	[spmem:s30] =	stream.linear.scatter [tilespmem:s29], [sflag:$0x1], $0x10, $0x38;
	[tilespmem:$0x1EF88] =	vst v63  }
0x1bc: {  	_ =	swait.ge [sflag:s31], $0x10  }
0x1bd: {  	[sflag:s31] =	ssyncset.done $0x0  }
0x1be: {  	p1 =	seq.s32 s14, $0x0;
	s9 =	rddreg [dreg:$0x2];
	[sflag:s31] =	ssyncadd.s32 $0xFFFFFFF0  }
0x1bf: {  	s3 =	sshll.u32 @p1 s9, $0xE;
	s8 =	rddreg [dreg:$0x3]  }
0x1c0: {  	s2 =	sadd.s32 @p1 $0x15C3C, s3;
	s3 =	sshll.u32 @p1 s8, $0x11  }
0x1c1: {  	_ =	sfence.stream.spmem;
	s2 =	sor.u32 @p1 s3, s2  }
0x1c2: {  	[sflag:s2] =	ssyncadd.remote.s32 @p1 $0x1;
	s2 =	simm.s32 @p1 $0x4  }
0x1c3: {  	s4 =	simm.s32 @!p1 $0x3C;
	s3 =	sand.u32 $0xFFFFFFFE, s9;
	_ =	swait.ge @p1 [sflag:s2], $0x12  }
0x1c4: {  	s5 =	simm.s32 @!p1 $0x0;
	s3 =	sadd.s32 @!p1 $0x4, s3;
	[sflag:s2] =	ssyncset.done @p1 $0x0  }
0x1c5: {  	s7 =	simm.s32 @!p1 $0x80;
	[sflag:s2] =	ssyncadd.s32 @p1 $0xFFFFFFEE;
	s2 =	sshll.u32 @!p1 s3, $0x1A  }
0x1c6: {  	s3 =	sshll.u32 @!p1 s3, $0xD;
	s2 =	sor.u32 @!p1 s2, s8;
	_ =	swait.eq @!p1 [sflag:s4], $0x1  }
0x1c7: {  	s3 =	sor.u32 @!p1 $0x1C04, s3;
	s4 =	simm.s32 @!p1 $0x1C03;
	s2 =	sor.u32 @!p1 $0x80004000, s2  }
0x1c8: {  	[spmem:s7], [sflag:s3] =	dma.general @!p1 [spmem:s5], [sflag:s4], length:$0x10, [dreg:$0x0], stride_count:$0x0, ici_dest:s2, dma_misc:DstOpCode:WRITE  }
0x1c9: {  	p2 =	slt.s32 s0, $0x2;
	s5 =	simm.s32 @!p1 $0x100;
	s7 =	simm.s32 @!p1 $0x102  }
0x1ca: {  	[spmem:s7], [sflag:s3] =	dma.general @!p1 [spmem:s5], [sflag:s4], length:$0x2, [dreg:$0x0], stride_count:$0x0, ici_dest:s2, dma_misc:DstOpCode:WRITE  }
.Ltmp33:
0x1cb: {  	s2 =	simm.s32 @!p1 $0x3;
	(pc) =	sbr.rel @p2 .LBB2_44-.Ltmp33, $4  }
0x1cc: {  	s3 =	sshll.u32 @!p1 s9, $0xE;
	_ =	swait.ge @!p1 [sflag:s2], $0x12  }
0x1cd: {  	s4 =	sshll.u32 @!p1 s8, $0x11;
	s3 =	sadd.s32 @!p1 $0x11C3C, s3;
	[sflag:s2] =	ssyncset.done @!p1 $0x0  }
0x1ce: {  	[sflag:s2] =	ssyncadd.s32 @!p1 $0xFFFFFFEE;
	s2 =	sor.u32 @!p1 s4, s3  }
0x1cf: {  	s0 =	simm.s32 $0x0;
	[sflag:s2] =	ssyncadd.remote.s32 @!p1 $0xFFFFFFFF  }
0x1d0: {  	s0 =	simm.s32 $0xA119  }
0x1d1: {  	v0 =	vld.msk [tilespmem:s0+$0x0], $0x1;
	_ =	sdelay $0x4  }
0x1d2: {  	(v2sf) =	vpush v0, $0x0;
	_ =	sdelay $0xd  }
0x1d3: {  	s3 =	sadd.s32 $0xFFFFFFFE, s6  }
0x1d4: {  	s4 =	sadd.s32 $0xFFFFFFFF, s3;
	s2 =	spop (v2sf)  }
0x1d5: {  	p2 =	sne.s32 s4, $0x0;
	p1 =	sgt.u32 s2, $0x41FF8  }
.Ltmp34:
0x1d6: {  	s5 =	sand.u32 @!p1 $0x7FFF8, s2;
	(pc) =	sbr.rel @!p2 .LBB2_43-.Ltmp34, $4  }
0x1d7: {  	s0 =	simm.s32 $0xA178;
	s2 =	sand.u32 @!p1 $0x7, s2;
	s3 =	sadd.s32 @!p1 s1, s5  }
0x1d8: {  	[hbm4b:s3+s2] =	stream.linear.scatter @!p1 [tilespmem:s0], [sflag:$0x5], $0x40, $0x38;
	[tilespmem:$0x1EF88] =	vst v63  }
0x1d9: {  	s2 =	simm.s32 $0x0  }
0x1da: {  	s6 =	simm.s32 $0xA11A;
	s5 =	simm.s32 $0x0;
	s2 =	simm.s32 @!p1 $0x100  }
.LBB2_42:
0x1db: {  	v0 =	vld.msk [tilespmem:s6+$0x0], $0x1;
	s4 =	sadd.s32 $0xFFFFFFFF, s4;
	s5 =	sadd.s32 s5, s2  }
0x1dc: {  	p1 =	sne.s32 s4, $0x0;
	_ =	sdelay $0x3  }
0x1dd: {  	(v2sf) =	vpush v0, $0x0;
	_ =	sdelay $0xe  }
.Ltmp35:
0x1de: {  	s3 =	spop (v2sf);
	(pc) =	sbr.rel @p1 .LBB2_42-.Ltmp35, $4  }
0x1df: {  	s2 =	simm.s32 $0x0;
	p2 =	sgt.u32 s3, $0x41FF8  }
0x1e0: {  	s0 =	sadd.s32 $0x40, s0;
	s2 =	simm.s32 @!p2 $0x100;
	s7 =	sand.u32 @!p2 $0x7FFF8, s3  }
0x1e1: {  	s6 =	sadd.s32 $0x1, s6;
	s3 =	sand.u32 @!p2 $0x7, s3;
	s7 =	sadd.s32 @!p2 s1, s7  }
0x1e2: {  	[hbm4b:s7+s3] =	stream.linear.scatter @!p2 [tilespmem:s0], [sflag:$0x5], $0x40, $0x38;
	[tilespmem:$0x1EF88] =	vst v63  }
.LBB2_43:
0x1e3: {  	s0 =	sadd.s32 s5, s2  }
0x1e4: {  	s0 =	sshrl.u32 s0, $0x2  }
.LBB2_44:
0x1e5: {  	s2 =	simm.s32 $0x5  }
0x1e6: {  	_ =	swait.ge [sflag:s2], s0  }
0x1e7: {  	s31 =	ssub.s32 $0x0, s0;
	[sflag:s2] =	ssyncset.done $0x0  }
0x1e8: {  	[sflag:s2] =	ssyncadd.s32 s31  }
0x1e9: {  	[sflag:s2] =	ssyncpa.u1 $0x1  }
.LBB2_45:
0x1ea: {  	s0 =	sor.u32 s14, s15  }
0x1eb: {  	p1 =	sne.s32 s0, $0x0  }
.Ltmp36:
0x1ec: {  	_ = 	snop;
	(pc) =	sbr.rel @p1 .LBB2_60-.Ltmp36, $3  }
0x1ed: {  	_ =	sdelay $0x1  }
0x1ee: {  	[bflag:$0x0] =	sbarrier.arrive $0xFFFF  }
0x1ef: {  	_ =	sfence  }
0x1f0: {  	s0 =	simm.s32 $0x7  }
0x1f1: {  	s2 =	simm.s32 $0x800;
	s3 =	simm.s32 $0xA118;
	[sflag:s0] =	ssyncpa.u1 $0x0  }
0x1f2: {  	[tilespmem:s3], [sflag:$0x7] =	stream.linear.gather [spmem:s2], $0x20, $0x38;
	[tilespmem:$0x1EF88] =	vst v63  }
0x1f3: {  	s30 =	simm.s32 $0xA138;
	s2 =	simm.s32 $0x0  }
0x1f4: {  	[tilespmem:s30], [sflag:$0x7] =	stream.linear.gather [spmem:s2], $0x800, $0x38;
	[tilespmem:$0x1EF88] =	vst v63  }
.Ltmp37:
0x1f5: {  	_ = 	snop;
	(pc) =	sbr.rel .LBB2_47-.Ltmp37, $4  }
0x1f6: {  	_ =	swait.ge [sflag:s0], $0x820  }
0x1f7: {  	[sflag:s0] =	ssyncset.done $0x0  }
0x1f8: {  	s31 =	simm.s32 $0x8;
	[sflag:s0] =	ssyncadd.s32 $0xFFFFF7E0  }
0x1f9: {  	s3 =	simm.s32 $0x0;
	[sflag:s31] =	ssyncpa.u1 $0x0  }
.LBB2_53:
0x1fa: {  	p1 =	slt.u32 s0, $0x41FF9  }
0x1fb: {  	s4 =	sand.u32 @p1 $0x7FFF8, s0  }
0x1fc: {  	s0 =	sand.u32 @p1 $0x7, s0;
	s5 =	simm.s32 @p1 $0xA0C8;
	s4 =	sadd.s32 @p1 s1, s4  }
0x1fd: {  	[tilespmem:s5], [sflag:$0x8] =	stream.linear.gather @p1 [hbm4b:s4+s0], $0x40, $0x38;
	[tilespmem:$0x1EF88] =	vst v63  }
0x1fe: {  	s0 =	simm.s32 @p1 $0x8  }
0x1ff: {  	_ =	swait.ge @p1 [sflag:s0], $0x40  }
0x200: {  	[sflag:s0] =	ssyncset.done @p1 $0x0  }
0x201: {  	[sflag:s0] =	ssyncadd.s32 @p1 $0xFFFFFFC0  }
0x202: {  	v1 =	vld @p1 [tilespmem:$0xA0C8];
	_ =	sdelay $0x2  }
0x203: {  	s0 =	sshll.u32 @p1 s3, $0x8  }
0x204: {  	s4 =	sshrl.u32 @p1 s0, $0x2  }
0x205: {  	[tilespmem:s4+$0xA138] =	vst.add.f32.msk @p1 $0xffff, v1  }
0x206: {  	v1 =	vld @p1 [tilespmem:$0xA0D8];
	_ =	sdelay $0x4  }
0x207: {  	[tilespmem:s4+$0xA148] =	vst.add.f32.msk @p1 $0xffff, v1  }
0x208: {  	v1 =	vld @p1 [tilespmem:$0xA0E8];
	_ =	sdelay $0x4  }
0x209: {  	[tilespmem:s4+$0xA158] =	vst.add.f32.msk @p1 $0xffff, v1  }
0x20a: {  	v1 =	vld @p1 [tilespmem:$0xA0F8];
	_ =	sdelay $0x3  }
0x20b: {  	s5 =	sshll.u32 @!p1 s3, $0x8  }
0x20c: {  	s5 =	smov.u32 @p1 s0;
	[tilespmem:s4+$0xA168] =	vst.add.f32.msk @p1 $0xffff, v1  }
0x20d: {  	s0 =	sshrl.u32 s5, $0x2;
	[tilespmem:s2+$0xA118] =	vst.msk $0x1, v0  }
0x20e: {  	v0 =	vld [tilespmem:s0+$0xA138];
	_ =	sdelay $0x2  }
0x20f: {  	s31 =	sshll.u32 s2, $0x8  }
0x210: {  	s4 =	sshra.s32 s31, $0x2  }
0x211: {  	[tilespmem:s4+$0xA138] =	vst v0  }
0x212: {  	v0 =	vld [tilespmem:s0+$0xA148];
	_ =	sdelay $0x4  }
0x213: {  	[tilespmem:s4+$0xA148] =	vst v0  }
0x214: {  	v0 =	vld [tilespmem:s0+$0xA158];
	_ =	sdelay $0x4  }
0x215: {  	[tilespmem:s4+$0xA158] =	vst v0  }
0x216: {  	v0 =	vld [tilespmem:s0+$0xA168];
	_ =	sdelay $0x4  }
0x217: {  	s2 =	sadd.s32 $0x1, s2;
	[tilespmem:s4+$0xA168] =	vst v0  }
.LBB2_54:
0x218: {  	s3 =	sadd.s32 $0x1, s3  }
0x219: {  	p1 =	sne.s32 s3, $0x20  }
.Ltmp38:
0x21a: {  	_ = 	snop;
	(pc) =	sbr.rel @!p1 .LBB2_55-.Ltmp38, $1  }
0x21b: {  	_ =	sdelay $0x3  }
.LBB2_47:
0x21c: {  	v0 =	vld.msk [tilespmem:s3+$0xA118], $0x1;
	_ =	sdelay $0x4  }
0x21d: {  	(v2sf) =	vpush v0, $0x0;
	_ =	sdelay $0xe  }
0x21e: {  	s0 =	spop (v2sf)  }
0x21f: {  	p1 =	seq.s32 s0, $0xFFFFFFFF  }
.Ltmp39:
0x220: {  	_ = 	snop;
	(pc) =	sbr.rel @p1 .LBB2_54-.Ltmp39, $1  }
0x221: {  	_ =	sdelay $0x3  }
0x222: {  	p1 =	slt.s32 s2, $0x1  }
.Ltmp40:
0x223: {  	_ = 	snop;
	(pc) =	sbr.rel @p1 .LBB2_53-.Ltmp40, $1  }
0x224: {  	_ =	sdelay $0x3  }
0x225: {  	s4 =	simm.s32 $0xA118;
	p1 =	por $0x0, $0x0  }
0x226: {  	v1 =	vld.msk @!p1 [tilespmem:s4+$0x0], $0x1;
	_ =	sdelay $0x4  }
0x227: {  	(v2sf) =	vpush @!p1 v1, $0x0;
	_ =	sdelay $0xd  }
0x228: {  	p3 =	sne.s32 s2, $0x1  }
.Ltmp41:
0x229: {  	s5 =	spop @!p1 (v2sf);
	(pc) =	sbr.rel @!p3 .LBB2_51-.Ltmp41, $4  }
0x22a: {  	p2 =	seq.s32 @!p1 s0, s5  }
0x22b: {  	s5 =	simm.s32 $0x0;
	p2 =	por !p2, p1  }
0x22c: {  	s7 =	simm.s32 $0xFFFFFFFF;
	s5 =	simm.s32 @p2 $0xFFFFFFFF  }
0x22d: {  	s6 =	simm.s32 $0x1;
	s5 =	smov.u32 @p1 s7  }
.LBB2_50:
0x22e: {  	s7 =	smov.u32 s5;
	p1 =	sne.s32 s5, $0xFFFFFFFF  }
0x22f: {  	s4 =	sadd.s32 $0x1, s4;
	s5 =	smov.u32 s6;
	s6 =	sadd.s32 $0x1, s6  }
0x230: {  	p2 =	sne.s32 s2, s6;
	v1 =	vld.msk @!p1 [tilespmem:s4+$0x0], $0x1;
	_ =	sdelay $0x4  }
0x231: {  	(v2sf) =	vpush @!p1 v1, $0x0;
	_ =	sdelay $0xe  }
.Ltmp42:
0x232: {  	s8 =	spop @!p1 (v2sf);
	(pc) =	sbr.rel @p2 .LBB2_50-.Ltmp42, $4  }
0x233: {  	p3 =	seq.s32 @!p1 s0, s8  }
0x234: {  	p3 =	por !p3, p1  }
0x235: {  	s5 =	simm.s32 @p3 $0xFFFFFFFF  }
0x236: {  	s5 =	smov.u32 @p1 s7  }
.LBB2_51:
0x237: {  	p1 =	seq.s32 s5, $0xFFFFFFFF  }
.Ltmp43:
0x238: {  	_ = 	snop;
	(pc) =	sbr.rel @p1 .LBB2_53-.Ltmp43, $1  }
0x239: {  	_ =	sdelay $0x3  }
0x23a: {  	s0 =	sshll.u32 s3, $0x6  }
0x23b: {  	s0 =	sand.u32 $0x3FFFFFC0, s0  }
0x23c: {  	v0 =	vld [tilespmem:s0+$0xA138];
	_ =	sdelay $0x2  }
0x23d: {  	s4 =	sshll.u32 s5, $0x8  }
0x23e: {  	s4 =	sshra.s32 s4, $0x2  }
0x23f: {  	[tilespmem:s4+$0xA138] =	vst.add.f32.msk $0xffff, v0  }
0x240: {  	v0 =	vld [tilespmem:s0+$0xA148];
	_ =	sdelay $0x4  }
0x241: {  	[tilespmem:s4+$0xA148] =	vst.add.f32.msk $0xffff, v0  }
0x242: {  	v0 =	vld [tilespmem:s0+$0xA158];
	_ =	sdelay $0x4  }
0x243: {  	[tilespmem:s4+$0xA158] =	vst.add.f32.msk $0xffff, v0  }
0x244: {  	v0 =	vld [tilespmem:s0+$0xA168]  }
.Ltmp44:
0x245: {  	_ = 	snop;
	(pc) =	sbr.rel .LBB2_54-.Ltmp44, $2  }
0x246: {  	_ =	sdelay $0x2  }
0x247: {  	[tilespmem:s4+$0xA168] =	vst.add.f32.msk $0xffff, v0  }
.LBB2_55:
0x248: {  	p1 =	slt.s32 s2, $0x1  }
.Ltmp45:
0x249: {  	_ = 	snop;
	(pc) =	sbr.rel @p1 .LBB2_59-.Ltmp45, $3  }
0x24a: {  	_ =	sdelay $0x1  }
0x24b: {  	s0 =	simm.s32 $0x8  }
0x24c: {  	[sflag:s0] =	ssyncpa.u1 $0x1;
	s0 =	simm.s32 $0x0  }
0x24d: {  	s3 =	simm.s32 $0xA118  }
0x24e: {  	v0 =	vld.msk [tilespmem:s3+$0x0], $0x1;
	_ =	sdelay $0x4  }
0x24f: {  	(v2sf) =	vpush v0, $0x0;
	_ =	sdelay $0xe  }
0x250: {  	s2 =	sadd.s32 $0xFFFFFFFF, s2;
	s4 =	spop (v2sf)  }
0x251: {  	p2 =	sne.s32 s2, $0x0;
	p1 =	sgt.u32 s4, $0x41FF8  }
.Ltmp46:
0x252: {  	s5 =	sand.u32 @!p1 $0x7FFF8, s4;
	(pc) =	sbr.rel @!p2 .LBB2_58-.Ltmp46, $4  }
0x253: {  	s3 =	simm.s32 $0xA138;
	s4 =	sand.u32 @!p1 $0x7, s4;
	s5 =	sadd.s32 @!p1 s1, s5  }
0x254: {  	[hbm4b:s5+s4] =	stream.linear.scatter @!p1 [tilespmem:s3], [sflag:$0x7], $0x40, $0x38;
	[tilespmem:$0x1EF88] =	vst v63  }
0x255: {  	s5 =	simm.s32 $0x0  }
0x256: {  	s4 =	simm.s32 $0xA119;
	s5 =	simm.s32 @!p1 $0x100  }
.LBB2_57:
0x257: {  	v0 =	vld.msk [tilespmem:s4+$0x0], $0x1;
	s2 =	sadd.s32 $0xFFFFFFFF, s2;
	s0 =	sadd.s32 s0, s5  }
0x258: {  	p1 =	sne.s32 s2, $0x0;
	_ =	sdelay $0x3  }
0x259: {  	(v2sf) =	vpush v0, $0x0;
	_ =	sdelay $0xe  }
.Ltmp47:
0x25a: {  	s6 =	spop (v2sf);
	(pc) =	sbr.rel @p1 .LBB2_57-.Ltmp47, $4  }
0x25b: {  	s5 =	simm.s32 $0x0;
	p2 =	sgt.u32 s6, $0x41FF8  }
0x25c: {  	s3 =	sadd.s32 $0x40, s3;
	s5 =	simm.s32 @!p2 $0x100;
	s7 =	sand.u32 @!p2 $0x7FFF8, s6  }
0x25d: {  	s4 =	sadd.s32 $0x1, s4;
	s6 =	sand.u32 @!p2 $0x7, s6;
	s7 =	sadd.s32 @!p2 s1, s7  }
0x25e: {  	[hbm4b:s7+s6] =	stream.linear.scatter @!p2 [tilespmem:s3], [sflag:$0x7], $0x40, $0x38;
	[tilespmem:$0x1EF88] =	vst v63  }
.LBB2_58:
0x25f: {  	s0 =	sadd.s32 s0, s5  }
0x260: {  	s0 =	sshrl.u32 s0, $0x2  }
.LBB2_59:
0x261: {  	s1 =	simm.s32 $0x7  }
0x262: {  	_ =	swait.ge [sflag:s1], s0  }
0x263: {  	s31 =	ssub.s32 $0x0, s0;
	[sflag:s1] =	ssyncset.done $0x0  }
0x264: {  	[sflag:s1] =	ssyncadd.s32 s31  }
0x265: {  	[sflag:s1] =	ssyncpa.u1 $0x1  }
.LBB2_60:
0x266: {  	_ =	sfence;
	s0 =	simm.s32 $0x1  }
0x267: {  	[sflag:s0] =	ssyncpa.u1 $0x1  }
0x268: {  	_ =	strace $0x90000047  }
0x269: {  	[bflag:$0x2] =	sbarrier.arrive $0xFFFF  }
0x26a: {  	s0 =	rddreg [dreg:$0x4]  }
0x26b: {  	s0 =	sadd.s32 @!p0 $0x100000, s0  }
0x26c: {  	[sflag:s0] =	ssyncadd.tile.s32 @!p0 $0x1;
	_ =	shalt  }
.Lfunc_end2:
_tile_overlayer_lowered:
.L_overlay_start_2:
0x26d: {  	(tag) =	ssettag $0x2  }
0x26e: {  	s0 =	rddreg [dreg:$0x0];
	s2 =	stileid.u32  }
0x26f: {  	s1 =	rddreg [dreg:$0x1];
	p0 =	sne.s32 s2, $0x0  }
0x270: {  	s3 =	rddreg [dreg:$0x2];
	[bflag:$0x3] =	sbarrier.arrive $0xFFFF;
	s2 =	simm.s32 @!p0 $0x1C01  }
0x271: {  	[timem:s3], [sflag:s2] =	dma.local @!p0 [hbm:s0], s1  }
0x272: {  	s0 =	simm.s32 @!p0 $0x1  }
0x273: {  	_ =	swait.ge @!p0 [sflag:s0], s1  }
0x274: {  	s1 =	ssub.s32 @!p0 $0x0, s1;
	[sflag:s0] =	ssyncset.done @!p0 $0x0  }
0x275: {  	[sflag:s0] =	ssyncadd.s32 @!p0 s1  }
0x276: {  	[bflag:$0x3] =	sbarrier.arrive $0xFFFF  }
0x277: {  	_ =	shalt  }

</sc_bundles>
